<compile_context>
chip_gen: v7x
topology: tpu7x:2x2x1
jax: 0.10.2.dev20260603
libtpu: 0.0.44.dev20260713+nightly
codegen_flags: <defaults>
</compile_context>

<pallas_src>
import functools

import jax
import jax.numpy as jnp
from jax import lax
from jax.experimental import pallas as pl
from jax.experimental.pallas import tpu as pltpu
from jax.experimental.pallas import tpu_sc as plsc

H = 32
W = 32
HW = H * W
NQ = 40
C = HW * NQ
LANES = 16
NVEC = C // LANES
NCORES = 2
NSUB = 16
NW = NCORES * NSUB
ROWS_PER_W = HW // NW
UNROLL = 8


def _sc_labels(a_rep, b_tile, tsplat, nrows):
    rpw = nrows // NW
    mesh = plsc.VectorSubcoreMesh(core_axis_name="c", subcore_axis_name="s")

    @functools.partial(
        pl.kernel,
        mesh=mesh,
        out_type=jax.ShapeDtypeStruct((nrows, C), jnp.float32),
        scratch_types=[
            pltpu.VMEM((C,), jnp.float32),
            pltpu.VMEM((C,), jnp.float32),
            pltpu.VMEM((C,), jnp.float32),
            pltpu.VMEM((rpw * LANES,), jnp.float32),
            pltpu.SemaphoreType.DMA,
            pltpu.SemaphoreType.DMA,
        ],
    )
    def sc_kernel(a_hbm, b_hbm, tsplat_hbm, out_hbm,
                  ratio_v, buf0, buf1, tsplat_v, sem0, sem1):
        cid = lax.axis_index("c")
        sid = lax.axis_index("s")
        wid = cid * NSUB + sid
        base = wid * rpw

        pltpu.sync_copy(a_hbm, buf0)
        pltpu.sync_copy(b_hbm, buf1)
        pltpu.sync_copy(
            tsplat_hbm.at[pl.ds(base * LANES, rpw * LANES)], tsplat_v)

        def rdiv(j, carry):
            for u in range(UNROLL):
                s = pl.ds((j * UNROLL + u) * LANES, LANES)
                ratio_v[s] = buf0[s] / buf1[s]
            return carry

        lax.fori_loop(0, NVEC // UNROLL, rdiv, 0)

        bufs = (buf0, buf1)
        sems = (sem0, sem1)

        def row_pair(g, carry):
            for b in range(2):
                rl = g * 2 + b
                r = base + rl
                tvec = tsplat_v[pl.ds(rl * LANES, LANES)]

                @pl.when(g > 0)
                def _wait():
                    pltpu.make_async_copy(
                        bufs[b], out_hbm.at[base], sems[b]).wait()

                def compute(j, inner_carry):
                    for u in range(UNROLL):
                        s = pl.ds((j * UNROLL + u) * LANES, LANES)
                        bufs[b][s] = jnp.where(ratio_v[s] >= tvec, 1.0, 0.0)
                    return inner_carry

                lax.fori_loop(0, NVEC // UNROLL, compute, 0)
                pltpu.async_copy(bufs[b], out_hbm.at[r], sems[b])
            return carry

        lax.fori_loop(0, rpw // 2, row_pair, 0)

        for b in range(2):
            pltpu.make_async_copy(bufs[b], out_hbm.at[base], sems[b]).wait()

    return sc_kernel(a_rep, b_tile, tsplat)


def _tc_body(ratio_ref, rowm_ref, out_ref):
    t = rowm_ref[:, 0:1]
    out_ref[...] = jnp.where(ratio_ref[...] >= t, 1.0, 0.0)


def _tc_ratio_body(a_ref, b_ref, out_ref):
    out_ref[...] = a_ref[...] / b_ref[...]


def _tc_labels(a_rep, b_tile, rowm, nrows):
    BR = 32
    ratio = pl.pallas_call(
        _tc_ratio_body,
        out_shape=jax.ShapeDtypeStruct((1, C), jnp.float32),
    )(a_rep[None, :], b_tile[None, :])
    return pl.pallas_call(
        _tc_body,
        grid=(nrows // BR,),
        in_specs=[
            pl.BlockSpec((1, C), lambda i: (0, 0)),
            pl.BlockSpec((BR, 128), lambda i: (i, 0)),
        ],
        out_specs=pl.BlockSpec((BR, C), lambda i: (i, 0)),
        out_shape=jax.ShapeDtypeStruct((nrows, C), jnp.float32),
    )(ratio, rowm)


def kernel(x, q_levels):
    flat = x.reshape(HW)
    a_rep = jnp.repeat(flat, NQ)
    b_tile = jnp.tile(q_levels, HW)
    split = 512
    tsplat = jnp.repeat(flat[split:], LANES)
    sc_out = _sc_labels(a_rep, b_tile, tsplat, HW - split)
    rowm = jnp.broadcast_to(flat[:split, None], (split, 128))
    tc_out = _tc_labels(a_rep, b_tile, rowm, split)
    return (tc_out, sc_out)

# --- scband reference (transcript-rebuilt; emitter-appended) ---
"""Pipeline reference for scband-lloyd-quant-62405874811728 (READ-ONLY COPY).

The authoritative reference and input builder live on the scoring server;
editing this copy changes nothing except your own understanding.
"""

import jax, jax.numpy as jnp
import numpy as np

# Lloyd_Quant with id=0 dispatches to relative_labeling_v1(depth_map, quant).
# The original torch code is heavily bugged (indexes a (d0,d1,HW) buffer with
# spatial row/col loops, reshapes (1,1,H,W) to (1,1,H*W), and the final reshape
# reshapes the wrong tensor). The clear intent, reconstructed faithfully:
#   relative_depth_map[i, j, p] = depth_flat[p] / depth[i, j]   (all pairwise ratios)
#   depth_label[i, j, p, c]     = relative_depth_map[i, j, p] >= q_levels[c]
#   return depth_label reshaped to (H, W, 40*H*W)
# quant.depth_ratio_008_008_quant(c) is materialized as a sorted 40-level array
# q_levels (the Lloyd-Max quantizer codebook boundaries).

def setup_inputs(seed: int = 0) -> dict:
    key = jax.random.key(seed)
    k1, k2 = jax.random.split(key)
    # depth maps are strictly positive; keep away from zero to avoid huge ratios
    x = jax.random.uniform(k1, (1, 1, 32, 32), dtype=jnp.float32, minval=0.5, maxval=10.0)
    # Lloyd quantizer levels: sorted positive thresholds over the ratio range
    q_levels = jnp.sort(jax.random.uniform(k2, (40,), dtype=jnp.float32, minval=0.1, maxval=10.0))
    return {"x": x, "q_levels": q_levels}


def reference(x, q_levels):
    # x: [1, 1, H, W] depth map; q_levels: [40] quantization thresholds
    H, W = x.shape[2], x.shape[3]
    flat = x.reshape(H * W)
    # relative_depth_map[i*W+j, p] = flat[p] / x[i, j]
    relative = flat[None, :] / flat[:, None]          # [H*W, H*W]
    relative = relative.reshape(H, W, H * W)          # [H, W, H*W]
    # depth_label[..., c] = relative >= q_levels[c]   (histogram / bin labeling)
    label = (relative[..., None] >= q_levels[None, None, None, :]).astype(jnp.float32)  # [H, W, H*W, 40]
    depth_label = label.reshape(H, W, H * W * 40)     # [H, W, 40*H*W]
    return depth_label

if __name__ == "__main__":
    import jax
    _d = setup_inputs()
    print(jax.jit(kernel)(*tuple(_d.values())))

</pallas_src>

<mosaic_0001>
#map = affine_map<(d0, d1) -> (0)>
#map1 = affine_map<(d0, d1) -> (0, 0)>
module attributes {stable_mosaic.version = 14 : i64} {
  func.func @sc_kernel(%arg0: i32, %arg1: i32, %arg2: memref<40960xf32, #tpu.memory_space<hbm>>, %arg3: memref<40960xf32, #tpu.memory_space<hbm>>, %arg4: memref<8192xf32, #tpu.memory_space<hbm>>, %arg5: memref<512x40960xf32, #tpu.memory_space<hbm>>, %arg6: memref<40960xf32, #tpu.memory_space<vmem>>, %arg7: memref<40960xf32, #tpu.memory_space<vmem>>, %arg8: memref<40960xf32, #tpu.memory_space<vmem>>, %arg9: memref<256xf32, #tpu.memory_space<vmem>>, %arg10: memref<!tpu.dma_semaphore, #tpu.memory_space<semaphore_mem>>, %arg11: memref<!tpu.dma_semaphore, #tpu.memory_space<semaphore_mem>>) attributes {dimension_semantics = [#tpu.dimension_semantics<core_parallel>, #tpu.dimension_semantics<subcore_parallel>], iteration_bounds = array<i64: 2, 16>, scalar_prefetch = 0 : i64, scratch_operands = 6 : i64, tpu.core_type = #tpu.core_type<sc_vector_subcore>, window_params = [{transform_indices = #map}, {transform_indices = #map}, {transform_indices = #map}, {transform_indices = #map1}]} {
    %mul3A = arith.constant 16 : i32
    %mul3A_0 = arith.muli %arg0, %mul3A : i32
    %add3A = arith.addi %mul3A_0, %arg1 : i32
    %mul3A_1 = arith.constant 16 : i32
    %mul3A_2 = arith.muli %add3A, %mul3A_1 : i32
    "tpu.region"() ({
      %run_scoped3A = tpu.sem_alloc : memref<!tpu.dma_semaphore, #tpu.memory_space<semaphore_mem>>
      tpu.enqueue_dma source(%arg2 : memref<40960xf32, #tpu.memory_space<hbm>>) target(%arg7 : memref<40960xf32, #tpu.memory_space<vmem>>) target_semaphore(%run_scoped3A : memref<!tpu.dma_semaphore, #tpu.memory_space<semaphore_mem>>)
      tpu.wait_dma2 semaphore(%run_scoped3A : memref<!tpu.dma_semaphore, #tpu.memory_space<semaphore_mem>>) src(%arg2 : memref<40960xf32, #tpu.memory_space<hbm>>) dst(%arg7 : memref<40960xf32, #tpu.memory_space<vmem>>)
      tpu.yield
    }) : () -> ()
    "tpu.region"() ({
      %run_scoped3A = tpu.sem_alloc : memref<!tpu.dma_semaphore, #tpu.memory_space<semaphore_mem>>
      tpu.enqueue_dma source(%arg3 : memref<40960xf32, #tpu.memory_space<hbm>>) target(%arg8 : memref<40960xf32, #tpu.memory_space<vmem>>) target_semaphore(%run_scoped3A : memref<!tpu.dma_semaphore, #tpu.memory_space<semaphore_mem>>)
      tpu.wait_dma2 semaphore(%run_scoped3A : memref<!tpu.dma_semaphore, #tpu.memory_space<semaphore_mem>>) src(%arg3 : memref<40960xf32, #tpu.memory_space<hbm>>) dst(%arg8 : memref<40960xf32, #tpu.memory_space<vmem>>)
      tpu.yield
    }) : () -> ()
    %mul3A_3 = arith.constant 16 : i32
    %mul3A_4 = arith.muli %mul3A_2, %mul3A_3 : i32
    "tpu.region"() ({
      %run_scoped3A = tpu.sem_alloc : memref<!tpu.dma_semaphore, #tpu.memory_space<semaphore_mem>>
      %dma_start3A = tpu.memref_slice %arg4[%mul3A_4] : memref<8192xf32, #tpu.memory_space<hbm>> -> memref<256xf32, #tpu.memory_space<hbm>>
      %dma_start3A_27 = tpu.memref_slice %arg4[%mul3A_4] : memref<8192xf32, #tpu.memory_space<hbm>> -> memref<256xf32, #tpu.memory_space<hbm>>
      tpu.enqueue_dma source(%dma_start3A_27 : memref<256xf32, #tpu.memory_space<hbm>>) target(%arg9 : memref<256xf32, #tpu.memory_space<vmem>>) target_semaphore(%run_scoped3A : memref<!tpu.dma_semaphore, #tpu.memory_space<semaphore_mem>>)
      %dma_wait3A_28 = tpu.memref_slice %arg4[%mul3A_4] : memref<8192xf32, #tpu.memory_space<hbm>> -> memref<256xf32, #tpu.memory_space<hbm>>
      %dma_wait3A_29 = tpu.memref_slice %arg4[%mul3A_4] : memref<8192xf32, #tpu.memory_space<hbm>> -> memref<256xf32, #tpu.memory_space<hbm>>
      tpu.wait_dma2 semaphore(%run_scoped3A : memref<!tpu.dma_semaphore, #tpu.memory_space<semaphore_mem>>) src(%dma_wait3A_29 : memref<256xf32, #tpu.memory_space<hbm>>) dst(%arg9 : memref<256xf32, #tpu.memory_space<vmem>>)
      tpu.yield
    }) : () -> ()
    %scan3A = arith.constant 0 : i32
    %scan3A_5 = arith.constant 0 : i32
    %scan3A_6 = arith.constant 320 : i32
    %scan3A_7 = arith.addi %scan3A_5, %scan3A_6 : i32
    %scan3A_8 = arith.constant 1 : i32
    scf.for %scan3A_27 = %scan3A_5 to %scan3A_7 step %scan3A_8  : i32 {
      %mul3A_28 = arith.constant 8 : i32
      %mul3A_29 = arith.muli %scan3A_27, %mul3A_28 : i32
      %add3A_30 = arith.constant 0 : i32
      %add3A_31 = arith.addi %mul3A_29, %add3A_30 : i32
      %mul3A_32 = arith.constant 16 : i32
      %mul3A_33 = arith.muli %add3A_31, %mul3A_32 : i32
      %get3A = arith.index_cast %mul3A_33 : i32 to index
      %get3A_34 = tpu.vector_load %arg7[%get3A] {strides = array<i32>} : memref<40960xf32, #tpu.memory_space<vmem>>, vector<16xf32>,
      %get3A_35 = vector.shape_cast %get3A_34 : vector<16xf32> to vector<16xf32>
      %get3A_36 = arith.index_cast %mul3A_33 : i32 to index
      %get3A_37 = tpu.vector_load %arg8[%get3A_36] {strides = array<i32>} : memref<40960xf32, #tpu.memory_space<vmem>>, vector<16xf32>,
      %get3A_38 = vector.shape_cast %get3A_37 : vector<16xf32> to vector<16xf32>
      %div3A = arith.divf %get3A_35, %get3A_38 : vector<16xf32>
      %swap3A = arith.index_cast %mul3A_33 : i32 to index
      %swap3A_39 = tpu.vector_load %arg6[%swap3A] {strides = array<i32>} : memref<40960xf32, #tpu.memory_space<vmem>>, vector<16xf32>,
      %swap3A_40 = vector.shape_cast %swap3A_39 : vector<16xf32> to vector<16xf32>
      %swap3A_41 = vector.shape_cast %div3A : vector<16xf32> to vector<16xf32>
      tpu.vector_store %arg6[%swap3A], %swap3A_41 {strides = array<i32>} : memref<40960xf32, #tpu.memory_space<vmem>>, vector<16xf32>,
      %mul3A_42 = arith.constant 8 : i32
      %mul3A_43 = arith.muli %scan3A_27, %mul3A_42 : i32
      %add3A_44 = arith.constant 1 : i32
      %add3A_45 = arith.addi %mul3A_43, %add3A_44 : i32
      %mul3A_46 = arith.constant 16 : i32
      %mul3A_47 = arith.muli %add3A_45, %mul3A_46 : i32
      %get3A_48 = arith.index_cast %mul3A_47 : i32 to index
      %get3A_49 = tpu.vector_load %arg7[%get3A_48] {strides = array<i32>} : memref<40960xf32, #tpu.memory_space<vmem>>, vector<16xf32>,
      %get3A_50 = vector.shape_cast %get3A_49 : vector<16xf32> to vector<16xf32>
      %get3A_51 = arith.index_cast %mul3A_47 : i32 to index
      %get3A_52 = tpu.vector_load %arg8[%get3A_51] {strides = array<i32>} : memref<40960xf32, #tpu.memory_space<vmem>>, vector<16xf32>,
      %get3A_53 = vector.shape_cast %get3A_52 : vector<16xf32> to vector<16xf32>
      %div3A_54 = arith.divf %get3A_50, %get3A_53 : vector<16xf32>
      %swap3A_55 = arith.index_cast %mul3A_47 : i32 to index
      %swap3A_56 = tpu.vector_load %arg6[%swap3A_55] {strides = array<i32>} : memref<40960xf32, #tpu.memory_space<vmem>>, vector<16xf32>,
      %swap3A_57 = vector.shape_cast %swap3A_56 : vector<16xf32> to vector<16xf32>
      %swap3A_58 = vector.shape_cast %div3A_54 : vector<16xf32> to vector<16xf32>
      tpu.vector_store %arg6[%swap3A_55], %swap3A_58 {strides = array<i32>} : memref<40960xf32, #tpu.memory_space<vmem>>, vector<16xf32>,
      %mul3A_59 = arith.constant 8 : i32
      %mul3A_60 = arith.muli %scan3A_27, %mul3A_59 : i32
      %add3A_61 = arith.constant 2 : i32
      %add3A_62 = arith.addi %mul3A_60, %add3A_61 : i32
      %mul3A_63 = arith.constant 16 : i32
      %mul3A_64 = arith.muli %add3A_62, %mul3A_63 : i32
      %get3A_65 = arith.index_cast %mul3A_64 : i32 to index
      %get3A_66 = tpu.vector_load %arg7[%get3A_65] {strides = array<i32>} : memref<40960xf32, #tpu.memory_space<vmem>>, vector<16xf32>,
      %get3A_67 = vector.shape_cast %get3A_66 : vector<16xf32> to vector<16xf32>
      %get3A_68 = arith.index_cast %mul3A_64 : i32 to index
      %get3A_69 = tpu.vector_load %arg8[%get3A_68] {strides = array<i32>} : memref<40960xf32, #tpu.memory_space<vmem>>, vector<16xf32>,
      %get3A_70 = vector.shape_cast %get3A_69 : vector<16xf32> to vector<16xf32>
      %div3A_71 = arith.divf %get3A_67, %get3A_70 : vector<16xf32>
      %swap3A_72 = arith.index_cast %mul3A_64 : i32 to index
      %swap3A_73 = tpu.vector_load %arg6[%swap3A_72] {strides = array<i32>} : memref<40960xf32, #tpu.memory_space<vmem>>, vector<16xf32>,
      %swap3A_74 = vector.shape_cast %swap3A_73 : vector<16xf32> to vector<16xf32>
      %swap3A_75 = vector.shape_cast %div3A_71 : vector<16xf32> to vector<16xf32>
      tpu.vector_store %arg6[%swap3A_72], %swap3A_75 {strides = array<i32>} : memref<40960xf32, #tpu.memory_space<vmem>>, vector<16xf32>,
      %mul3A_76 = arith.constant 8 : i32
      %mul3A_77 = arith.muli %scan3A_27, %mul3A_76 : i32
      %add3A_78 = arith.constant 3 : i32
      %add3A_79 = arith.addi %mul3A_77, %add3A_78 : i32
      %mul3A_80 = arith.constant 16 : i32
      %mul3A_81 = arith.muli %add3A_79, %mul3A_80 : i32
      %get3A_82 = arith.index_cast %mul3A_81 : i32 to index
      %get3A_83 = tpu.vector_load %arg7[%get3A_82] {strides = array<i32>} : memref<40960xf32, #tpu.memory_space<vmem>>, vector<16xf32>,
      %get3A_84 = vector.shape_cast %get3A_83 : vector<16xf32> to vector<16xf32>
      %get3A_85 = arith.index_cast %mul3A_81 : i32 to index
      %get3A_86 = tpu.vector_load %arg8[%get3A_85] {strides = array<i32>} : memref<40960xf32, #tpu.memory_space<vmem>>, vector<16xf32>,
      %get3A_87 = vector.shape_cast %get3A_86 : vector<16xf32> to vector<16xf32>
      %div3A_88 = arith.divf %get3A_84, %get3A_87 : vector<16xf32>
      %swap3A_89 = arith.index_cast %mul3A_81 : i32 to index
      %swap3A_90 = tpu.vector_load %arg6[%swap3A_89] {strides = array<i32>} : memref<40960xf32, #tpu.memory_space<vmem>>, vector<16xf32>,
      %swap3A_91 = vector.shape_cast %swap3A_90 : vector<16xf32> to vector<16xf32>
      %swap3A_92 = vector.shape_cast %div3A_88 : vector<16xf32> to vector<16xf32>
      tpu.vector_store %arg6[%swap3A_89], %swap3A_92 {strides = array<i32>} : memref<40960xf32, #tpu.memory_space<vmem>>, vector<16xf32>,
      %mul3A_93 = arith.constant 8 : i32
      %mul3A_94 = arith.muli %scan3A_27, %mul3A_93 : i32
      %add3A_95 = arith.constant 4 : i32
      %add3A_96 = arith.addi %mul3A_94, %add3A_95 : i32
      %mul3A_97 = arith.constant 16 : i32
      %mul3A_98 = arith.muli %add3A_96, %mul3A_97 : i32
      %get3A_99 = arith.index_cast %mul3A_98 : i32 to index
      %get3A_100 = tpu.vector_load %arg7[%get3A_99] {strides = array<i32>} : memref<40960xf32, #tpu.memory_space<vmem>>, vector<16xf32>,
      %get3A_101 = vector.shape_cast %get3A_100 : vector<16xf32> to vector<16xf32>
      %get3A_102 = arith.index_cast %mul3A_98 : i32 to index
      %get3A_103 = tpu.vector_load %arg8[%get3A_102] {strides = array<i32>} : memref<40960xf32, #tpu.memory_space<vmem>>, vector<16xf32>,
      %get3A_104 = vector.shape_cast %get3A_103 : vector<16xf32> to vector<16xf32>
      %div3A_105 = arith.divf %get3A_101, %get3A_104 : vector<16xf32>
      %swap3A_106 = arith.index_cast %mul3A_98 : i32 to index
      %swap3A_107 = tpu.vector_load %arg6[%swap3A_106] {strides = array<i32>} : memref<40960xf32, #tpu.memory_space<vmem>>, vector<16xf32>,
      %swap3A_108 = vector.shape_cast %swap3A_107 : vector<16xf32> to vector<16xf32>
      %swap3A_109 = vector.shape_cast %div3A_105 : vector<16xf32> to vector<16xf32>
      tpu.vector_store %arg6[%swap3A_106], %swap3A_109 {strides = array<i32>} : memref<40960xf32, #tpu.memory_space<vmem>>, vector<16xf32>,
      %mul3A_110 = arith.constant 8 : i32
      %mul3A_111 = arith.muli %scan3A_27, %mul3A_110 : i32
      %add3A_112 = arith.constant 5 : i32
      %add3A_113 = arith.addi %mul3A_111, %add3A_112 : i32
      %mul3A_114 = arith.constant 16 : i32
      %mul3A_115 = arith.muli %add3A_113, %mul3A_114 : i32
      %get3A_116 = arith.index_cast %mul3A_115 : i32 to index
      %get3A_117 = tpu.vector_load %arg7[%get3A_116] {strides = array<i32>} : memref<40960xf32, #tpu.memory_space<vmem>>, vector<16xf32>,
      %get3A_118 = vector.shape_cast %get3A_117 : vector<16xf32> to vector<16xf32>
      %get3A_119 = arith.index_cast %mul3A_115 : i32 to index
      %get3A_120 = tpu.vector_load %arg8[%get3A_119] {strides = array<i32>} : memref<40960xf32, #tpu.memory_space<vmem>>, vector<16xf32>,
      %get3A_121 = vector.shape_cast %get3A_120 : vector<16xf32> to vector<16xf32>
      %div3A_122 = arith.divf %get3A_118, %get3A_121 : vector<16xf32>
      %swap3A_123 = arith.index_cast %mul3A_115 : i32 to index
      %swap3A_124 = tpu.vector_load %arg6[%swap3A_123] {strides = array<i32>} : memref<40960xf32, #tpu.memory_space<vmem>>, vector<16xf32>,
      %swap3A_125 = vector.shape_cast %swap3A_124 : vector<16xf32> to vector<16xf32>
      %swap3A_126 = vector.shape_cast %div3A_122 : vector<16xf32> to vector<16xf32>
      tpu.vector_store %arg6[%swap3A_123], %swap3A_126 {strides = array<i32>} : memref<40960xf32, #tpu.memory_space<vmem>>, vector<16xf32>,
      %mul3A_127 = arith.constant 8 : i32
      %mul3A_128 = arith.muli %scan3A_27, %mul3A_127 : i32
      %add3A_129 = arith.constant 6 : i32
      %add3A_130 = arith.addi %mul3A_128, %add3A_129 : i32
      %mul3A_131 = arith.constant 16 : i32
      %mul3A_132 = arith.muli %add3A_130, %mul3A_131 : i32
      %get3A_133 = arith.index_cast %mul3A_132 : i32 to index
      %get3A_134 = tpu.vector_load %arg7[%get3A_133] {strides = array<i32>} : memref<40960xf32, #tpu.memory_space<vmem>>, vector<16xf32>,
      %get3A_135 = vector.shape_cast %get3A_134 : vector<16xf32> to vector<16xf32>
      %get3A_136 = arith.index_cast %mul3A_132 : i32 to index
      %get3A_137 = tpu.vector_load %arg8[%get3A_136] {strides = array<i32>} : memref<40960xf32, #tpu.memory_space<vmem>>, vector<16xf32>,
      %get3A_138 = vector.shape_cast %get3A_137 : vector<16xf32> to vector<16xf32>
      %div3A_139 = arith.divf %get3A_135, %get3A_138 : vector<16xf32>
      %swap3A_140 = arith.index_cast %mul3A_132 : i32 to index
      %swap3A_141 = tpu.vector_load %arg6[%swap3A_140] {strides = array<i32>} : memref<40960xf32, #tpu.memory_space<vmem>>, vector<16xf32>,
      %swap3A_142 = vector.shape_cast %swap3A_141 : vector<16xf32> to vector<16xf32>
      %swap3A_143 = vector.shape_cast %div3A_139 : vector<16xf32> to vector<16xf32>
      tpu.vector_store %arg6[%swap3A_140], %swap3A_143 {strides = array<i32>} : memref<40960xf32, #tpu.memory_space<vmem>>, vector<16xf32>,
      %mul3A_144 = arith.constant 8 : i32
      %mul3A_145 = arith.muli %scan3A_27, %mul3A_144 : i32
      %add3A_146 = arith.constant 7 : i32
      %add3A_147 = arith.addi %mul3A_145, %add3A_146 : i32
      %mul3A_148 = arith.constant 16 : i32
      %mul3A_149 = arith.muli %add3A_147, %mul3A_148 : i32
      %get3A_150 = arith.index_cast %mul3A_149 : i32 to index
      %get3A_151 = tpu.vector_load %arg7[%get3A_150] {strides = array<i32>} : memref<40960xf32, #tpu.memory_space<vmem>>, vector<16xf32>,
      %get3A_152 = vector.shape_cast %get3A_151 : vector<16xf32> to vector<16xf32>
      %get3A_153 = arith.index_cast %mul3A_149 : i32 to index
      %get3A_154 = tpu.vector_load %arg8[%get3A_153] {strides = array<i32>} : memref<40960xf32, #tpu.memory_space<vmem>>, vector<16xf32>,
      %get3A_155 = vector.shape_cast %get3A_154 : vector<16xf32> to vector<16xf32>
      %div3A_156 = arith.divf %get3A_152, %get3A_155 : vector<16xf32>
      %swap3A_157 = arith.index_cast %mul3A_149 : i32 to index
      %swap3A_158 = tpu.vector_load %arg6[%swap3A_157] {strides = array<i32>} : memref<40960xf32, #tpu.memory_space<vmem>>, vector<16xf32>,
      %swap3A_159 = vector.shape_cast %swap3A_158 : vector<16xf32> to vector<16xf32>
      %swap3A_160 = vector.shape_cast %div3A_156 : vector<16xf32> to vector<16xf32>
      tpu.vector_store %arg6[%swap3A_157], %swap3A_160 {strides = array<i32>} : memref<40960xf32, #tpu.memory_space<vmem>>, vector<16xf32>,
    }
    %scan3A_9 = arith.constant 320 : i32
    %scan3A_10 = arith.constant 0 : i32
    %scan3A_11 = arith.constant 0 : i32
    %scan3A_12 = arith.constant 8 : i32
    %scan3A_13 = arith.addi %scan3A_11, %scan3A_12 : i32
    %scan3A_14 = arith.constant 1 : i32
    scf.for %scan3A_27 = %scan3A_11 to %scan3A_13 step %scan3A_14  : i32 {
      %mul3A_28 = arith.constant 2 : i32
      %mul3A_29 = arith.muli %scan3A_27, %mul3A_28 : i32
      %add3A_30 = arith.constant 0 : i32
      %add3A_31 = arith.addi %mul3A_29, %add3A_30 : i32
      %add3A_32 = arith.addi %mul3A_2, %add3A_31 : i32
      %mul3A_33 = arith.constant 16 : i32
      %mul3A_34 = arith.muli %add3A_31, %mul3A_33 : i32
      %get3A = arith.index_cast %mul3A_34 : i32 to index
      %get3A_35 = tpu.vector_load %arg9[%get3A] {strides = array<i32>} : memref<256xf32, #tpu.memory_space<vmem>>, vector<16xf32>,
      %get3A_36 = vector.shape_cast %get3A_35 : vector<16xf32> to vector<16xf32>
      %gt3A = arith.constant 0 : i32
      %gt3A_37 = arith.cmpi sgt, %scan3A_27, %gt3A : i32
      %convert_element_type3A = arith.extui %gt3A_37 : i1 to i32
      %cond3A = arith.constant 0 : i32
      %cond3A_38 = arith.cmpi ne, %convert_element_type3A, %cond3A : i32
      scf.if %cond3A_38 {
        %dma_wait3A_77 = arith.constant 0 : i32
        %dma_wait3A_78 = tpu.memref_slice %arg5[%mul3A_2, %dma_wait3A_77] : memref<512x40960xf32, #tpu.memory_space<hbm>> -> memref<1x40960xf32, #tpu.memory_space<hbm>>
        %dma_wait3A_79 = tpu.memref_squeeze %dma_wait3A_78 : memref<1x40960xf32, #tpu.memory_space<hbm>> -> memref<40960xf32, #tpu.memory_space<hbm>>
        %dma_wait3A_80 = arith.constant 0 : i32
        %dma_wait3A_81 = tpu.memref_slice %arg5[%mul3A_2, %dma_wait3A_80] : memref<512x40960xf32, #tpu.memory_space<hbm>> -> memref<1x40960xf32, #tpu.memory_space<hbm>>
        %dma_wait3A_82 = tpu.memref_squeeze %dma_wait3A_81 : memref<1x40960xf32, #tpu.memory_space<hbm>> -> memref<40960xf32, #tpu.memory_space<hbm>>
        tpu.wait_dma2 semaphore(%arg10 : memref<!tpu.dma_semaphore, #tpu.memory_space<semaphore_mem>>) src(%arg7 : memref<40960xf32, #tpu.memory_space<vmem>>) dst(%dma_wait3A_82 : memref<40960xf32, #tpu.memory_space<hbm>>)
      } else {
      }
      %scan3A_39 = arith.constant 0 : i32
      %scan3A_40 = arith.constant 0 : i32
      %scan3A_41 = arith.constant 320 : i32
      %scan3A_42 = arith.addi %scan3A_40, %scan3A_41 : i32
      %scan3A_43 = arith.constant 1 : i32
      scf.for %scan3A_77 = %scan3A_40 to %scan3A_42 step %scan3A_43  : i32 {
        %mul3A_78 = arith.constant 8 : i32
        %mul3A_79 = arith.muli %scan3A_77, %mul3A_78 : i32
        %add3A_80 = arith.constant 0 : i32
        %add3A_81 = arith.addi %mul3A_79, %add3A_80 : i32
        %mul3A_82 = arith.constant 16 : i32
        %mul3A_83 = arith.muli %add3A_81, %mul3A_82 : i32
        %get3A_84 = arith.index_cast %mul3A_83 : i32 to index
        %get3A_85 = tpu.vector_load %arg6[%get3A_84] {strides = array<i32>} : memref<40960xf32, #tpu.memory_space<vmem>>, vector<16xf32>,
        %get3A_86 = vector.shape_cast %get3A_85 : vector<16xf32> to vector<16xf32>
        %ge3A = arith.cmpf oge, %get3A_86, %get3A_36 : vector<16xf32>
        %jit3A = arith.constant 1.000000e+00 : f32
        %jit3A_87 = arith.constant 0.000000e+00 : f32
        %broadcast_in_dim3A = vector.broadcast %jit3A : f32 to vector<16xf32>
        %broadcast_in_dim3A_88 = vector.broadcast %jit3A_87 : f32 to vector<16xf32>
        %select_n3A = arith.select %ge3A, %broadcast_in_dim3A, %broadcast_in_dim3A_88 : vector<16xi1>, vector<16xf32>
        %swap3A = arith.index_cast %mul3A_83 : i32 to index
        %swap3A_89 = tpu.vector_load %arg7[%swap3A] {strides = array<i32>} : memref<40960xf32, #tpu.memory_space<vmem>>, vector<16xf32>,
        %swap3A_90 = vector.shape_cast %swap3A_89 : vector<16xf32> to vector<16xf32>
        %swap3A_91 = vector.shape_cast %select_n3A : vector<16xf32> to vector<16xf32>
        tpu.vector_store %arg7[%swap3A], %swap3A_91 {strides = array<i32>} : memref<40960xf32, #tpu.memory_space<vmem>>, vector<16xf32>,
        %mul3A_92 = arith.constant 8 : i32
        %mul3A_93 = arith.muli %scan3A_77, %mul3A_92 : i32
        %add3A_94 = arith.constant 1 : i32
        %add3A_95 = arith.addi %mul3A_93, %add3A_94 : i32
        %mul3A_96 = arith.constant 16 : i32
        %mul3A_97 = arith.muli %add3A_95, %mul3A_96 : i32
        %get3A_98 = arith.index_cast %mul3A_97 : i32 to index
        %get3A_99 = tpu.vector_load %arg6[%get3A_98] {strides = array<i32>} : memref<40960xf32, #tpu.memory_space<vmem>>, vector<16xf32>,
        %get3A_100 = vector.shape_cast %get3A_99 : vector<16xf32> to vector<16xf32>
        %ge3A_101 = arith.cmpf oge, %get3A_100, %get3A_36 : vector<16xf32>
        %jit3A_102 = arith.constant 1.000000e+00 : f32
        %jit3A_103 = arith.constant 0.000000e+00 : f32
        %broadcast_in_dim3A_104 = vector.broadcast %jit3A_102 : f32 to vector<16xf32>
        %broadcast_in_dim3A_105 = vector.broadcast %jit3A_103 : f32 to vector<16xf32>
        %select_n3A_106 = arith.select %ge3A_101, %broadcast_in_dim3A_104, %broadcast_in_dim3A_105 : vector<16xi1>, vector<16xf32>
        %swap3A_107 = arith.index_cast %mul3A_97 : i32 to index
        %swap3A_108 = tpu.vector_load %arg7[%swap3A_107] {strides = array<i32>} : memref<40960xf32, #tpu.memory_space<vmem>>, vector<16xf32>,
        %swap3A_109 = vector.shape_cast %swap3A_108 : vector<16xf32> to vector<16xf32>
        %swap3A_110 = vector.shape_cast %select_n3A_106 : vector<16xf32> to vector<16xf32>
        tpu.vector_store %arg7[%swap3A_107], %swap3A_110 {strides = array<i32>} : memref<40960xf32, #tpu.memory_space<vmem>>, vector<16xf32>,
        %mul3A_111 = arith.constant 8 : i32
        %mul3A_112 = arith.muli %scan3A_77, %mul3A_111 : i32
        %add3A_113 = arith.constant 2 : i32
        %add3A_114 = arith.addi %mul3A_112, %add3A_113 : i32
        %mul3A_115 = arith.constant 16 : i32
        %mul3A_116 = arith.muli %add3A_114, %mul3A_115 : i32
        %get3A_117 = arith.index_cast %mul3A_116 : i32 to index
        %get3A_118 = tpu.vector_load %arg6[%get3A_117] {strides = array<i32>} : memref<40960xf32, #tpu.memory_space<vmem>>, vector<16xf32>,
        %get3A_119 = vector.shape_cast %get3A_118 : vector<16xf32> to vector<16xf32>
        %ge3A_120 = arith.cmpf oge, %get3A_119, %get3A_36 : vector<16xf32>
        %jit3A_121 = arith.constant 1.000000e+00 : f32
        %jit3A_122 = arith.constant 0.000000e+00 : f32
        %broadcast_in_dim3A_123 = vector.broadcast %jit3A_121 : f32 to vector<16xf32>
        %broadcast_in_dim3A_124 = vector.broadcast %jit3A_122 : f32 to vector<16xf32>
        %select_n3A_125 = arith.select %ge3A_120, %broadcast_in_dim3A_123, %broadcast_in_dim3A_124 : vector<16xi1>, vector<16xf32>
        %swap3A_126 = arith.index_cast %mul3A_116 : i32 to index
        %swap3A_127 = tpu.vector_load %arg7[%swap3A_126] {strides = array<i32>} : memref<40960xf32, #tpu.memory_space<vmem>>, vector<16xf32>,
        %swap3A_128 = vector.shape_cast %swap3A_127 : vector<16xf32> to vector<16xf32>
        %swap3A_129 = vector.shape_cast %select_n3A_125 : vector<16xf32> to vector<16xf32>
        tpu.vector_store %arg7[%swap3A_126], %swap3A_129 {strides = array<i32>} : memref<40960xf32, #tpu.memory_space<vmem>>, vector<16xf32>,
        %mul3A_130 = arith.constant 8 : i32
        %mul3A_131 = arith.muli %scan3A_77, %mul3A_130 : i32
        %add3A_132 = arith.constant 3 : i32
        %add3A_133 = arith.addi %mul3A_131, %add3A_132 : i32
        %mul3A_134 = arith.constant 16 : i32
        %mul3A_135 = arith.muli %add3A_133, %mul3A_134 : i32
        %get3A_136 = arith.index_cast %mul3A_135 : i32 to index
        %get3A_137 = tpu.vector_load %arg6[%get3A_136] {strides = array<i32>} : memref<40960xf32, #tpu.memory_space<vmem>>, vector<16xf32>,
        %get3A_138 = vector.shape_cast %get3A_137 : vector<16xf32> to vector<16xf32>
        %ge3A_139 = arith.cmpf oge, %get3A_138, %get3A_36 : vector<16xf32>
        %jit3A_140 = arith.constant 1.000000e+00 : f32
        %jit3A_141 = arith.constant 0.000000e+00 : f32
        %broadcast_in_dim3A_142 = vector.broadcast %jit3A_140 : f32 to vector<16xf32>
        %broadcast_in_dim3A_143 = vector.broadcast %jit3A_141 : f32 to vector<16xf32>
        %select_n3A_144 = arith.select %ge3A_139, %broadcast_in_dim3A_142, %broadcast_in_dim3A_143 : vector<16xi1>, vector<16xf32>
        %swap3A_145 = arith.index_cast %mul3A_135 : i32 to index
        %swap3A_146 = tpu.vector_load %arg7[%swap3A_145] {strides = array<i32>} : memref<40960xf32, #tpu.memory_space<vmem>>, vector<16xf32>,
        %swap3A_147 = vector.shape_cast %swap3A_146 : vector<16xf32> to vector<16xf32>
        %swap3A_148 = vector.shape_cast %select_n3A_144 : vector<16xf32> to vector<16xf32>
        tpu.vector_store %arg7[%swap3A_145], %swap3A_148 {strides = array<i32>} : memref<40960xf32, #tpu.memory_space<vmem>>, vector<16xf32>,
        %mul3A_149 = arith.constant 8 : i32
        %mul3A_150 = arith.muli %scan3A_77, %mul3A_149 : i32
        %add3A_151 = arith.constant 4 : i32
        %add3A_152 = arith.addi %mul3A_150, %add3A_151 : i32
        %mul3A_153 = arith.constant 16 : i32
        %mul3A_154 = arith.muli %add3A_152, %mul3A_153 : i32
        %get3A_155 = arith.index_cast %mul3A_154 : i32 to index
        %get3A_156 = tpu.vector_load %arg6[%get3A_155] {strides = array<i32>} : memref<40960xf32, #tpu.memory_space<vmem>>, vector<16xf32>,
        %get3A_157 = vector.shape_cast %get3A_156 : vector<16xf32> to vector<16xf32>
        %ge3A_158 = arith.cmpf oge, %get3A_157, %get3A_36 : vector<16xf32>
        %jit3A_159 = arith.constant 1.000000e+00 : f32
        %jit3A_160 = arith.constant 0.000000e+00 : f32
        %broadcast_in_dim3A_161 = vector.broadcast %jit3A_159 : f32 to vector<16xf32>
        %broadcast_in_dim3A_162 = vector.broadcast %jit3A_160 : f32 to vector<16xf32>
        %select_n3A_163 = arith.select %ge3A_158, %broadcast_in_dim3A_161, %broadcast_in_dim3A_162 : vector<16xi1>, vector<16xf32>
        %swap3A_164 = arith.index_cast %mul3A_154 : i32 to index
        %swap3A_165 = tpu.vector_load %arg7[%swap3A_164] {strides = array<i32>} : memref<40960xf32, #tpu.memory_space<vmem>>, vector<16xf32>,
        %swap3A_166 = vector.shape_cast %swap3A_165 : vector<16xf32> to vector<16xf32>
        %swap3A_167 = vector.shape_cast %select_n3A_163 : vector<16xf32> to vector<16xf32>
        tpu.vector_store %arg7[%swap3A_164], %swap3A_167 {strides = array<i32>} : memref<40960xf32, #tpu.memory_space<vmem>>, vector<16xf32>,
        %mul3A_168 = arith.constant 8 : i32
        %mul3A_169 = arith.muli %scan3A_77, %mul3A_168 : i32
        %add3A_170 = arith.constant 5 : i32
        %add3A_171 = arith.addi %mul3A_169, %add3A_170 : i32
        %mul3A_172 = arith.constant 16 : i32
        %mul3A_173 = arith.muli %add3A_171, %mul3A_172 : i32
        %get3A_174 = arith.index_cast %mul3A_173 : i32 to index
        %get3A_175 = tpu.vector_load %arg6[%get3A_174] {strides = array<i32>} : memref<40960xf32, #tpu.memory_space<vmem>>, vector<16xf32>,
        %get3A_176 = vector.shape_cast %get3A_175 : vector<16xf32> to vector<16xf32>
        %ge3A_177 = arith.cmpf oge, %get3A_176, %get3A_36 : vector<16xf32>
        %jit3A_178 = arith.constant 1.000000e+00 : f32
        %jit3A_179 = arith.constant 0.000000e+00 : f32
        %broadcast_in_dim3A_180 = vector.broadcast %jit3A_178 : f32 to vector<16xf32>
        %broadcast_in_dim3A_181 = vector.broadcast %jit3A_179 : f32 to vector<16xf32>
        %select_n3A_182 = arith.select %ge3A_177, %broadcast_in_dim3A_180, %broadcast_in_dim3A_181 : vector<16xi1>, vector<16xf32>
        %swap3A_183 = arith.index_cast %mul3A_173 : i32 to index
        %swap3A_184 = tpu.vector_load %arg7[%swap3A_183] {strides = array<i32>} : memref<40960xf32, #tpu.memory_space<vmem>>, vector<16xf32>,
        %swap3A_185 = vector.shape_cast %swap3A_184 : vector<16xf32> to vector<16xf32>
        %swap3A_186 = vector.shape_cast %select_n3A_182 : vector<16xf32> to vector<16xf32>
        tpu.vector_store %arg7[%swap3A_183], %swap3A_186 {strides = array<i32>} : memref<40960xf32, #tpu.memory_space<vmem>>, vector<16xf32>,
        %mul3A_187 = arith.constant 8 : i32
        %mul3A_188 = arith.muli %scan3A_77, %mul3A_187 : i32
        %add3A_189 = arith.constant 6 : i32
        %add3A_190 = arith.addi %mul3A_188, %add3A_189 : i32
        %mul3A_191 = arith.constant 16 : i32
        %mul3A_192 = arith.muli %add3A_190, %mul3A_191 : i32
        %get3A_193 = arith.index_cast %mul3A_192 : i32 to index
        %get3A_194 = tpu.vector_load %arg6[%get3A_193] {strides = array<i32>} : memref<40960xf32, #tpu.memory_space<vmem>>, vector<16xf32>,
        %get3A_195 = vector.shape_cast %get3A_194 : vector<16xf32> to vector<16xf32>
        %ge3A_196 = arith.cmpf oge, %get3A_195, %get3A_36 : vector<16xf32>
        %jit3A_197 = arith.constant 1.000000e+00 : f32
        %jit3A_198 = arith.constant 0.000000e+00 : f32
        %broadcast_in_dim3A_199 = vector.broadcast %jit3A_197 : f32 to vector<16xf32>
        %broadcast_in_dim3A_200 = vector.broadcast %jit3A_198 : f32 to vector<16xf32>
        %select_n3A_201 = arith.select %ge3A_196, %broadcast_in_dim3A_199, %broadcast_in_dim3A_200 : vector<16xi1>, vector<16xf32>
        %swap3A_202 = arith.index_cast %mul3A_192 : i32 to index
        %swap3A_203 = tpu.vector_load %arg7[%swap3A_202] {strides = array<i32>} : memref<40960xf32, #tpu.memory_space<vmem>>, vector<16xf32>,
        %swap3A_204 = vector.shape_cast %swap3A_203 : vector<16xf32> to vector<16xf32>
        %swap3A_205 = vector.shape_cast %select_n3A_201 : vector<16xf32> to vector<16xf32>
        tpu.vector_store %arg7[%swap3A_202], %swap3A_205 {strides = array<i32>} : memref<40960xf32, #tpu.memory_space<vmem>>, vector<16xf32>,
        %mul3A_206 = arith.constant 8 : i32
        %mul3A_207 = arith.muli %scan3A_77, %mul3A_206 : i32
        %add3A_208 = arith.constant 7 : i32
        %add3A_209 = arith.addi %mul3A_207, %add3A_208 : i32
        %mul3A_210 = arith.constant 16 : i32
        %mul3A_211 = arith.muli %add3A_209, %mul3A_210 : i32
        %get3A_212 = arith.index_cast %mul3A_211 : i32 to index
        %get3A_213 = tpu.vector_load %arg6[%get3A_212] {strides = array<i32>} : memref<40960xf32, #tpu.memory_space<vmem>>, vector<16xf32>,
        %get3A_214 = vector.shape_cast %get3A_213 : vector<16xf32> to vector<16xf32>
        %ge3A_215 = arith.cmpf oge, %get3A_214, %get3A_36 : vector<16xf32>
        %jit3A_216 = arith.constant 1.000000e+00 : f32
        %jit3A_217 = arith.constant 0.000000e+00 : f32
        %broadcast_in_dim3A_218 = vector.broadcast %jit3A_216 : f32 to vector<16xf32>
        %broadcast_in_dim3A_219 = vector.broadcast %jit3A_217 : f32 to vector<16xf32>
        %select_n3A_220 = arith.select %ge3A_215, %broadcast_in_dim3A_218, %broadcast_in_dim3A_219 : vector<16xi1>, vector<16xf32>
        %swap3A_221 = arith.index_cast %mul3A_211 : i32 to index
        %swap3A_222 = tpu.vector_load %arg7[%swap3A_221] {strides = array<i32>} : memref<40960xf32, #tpu.memory_space<vmem>>, vector<16xf32>,
        %swap3A_223 = vector.shape_cast %swap3A_222 : vector<16xf32> to vector<16xf32>
        %swap3A_224 = vector.shape_cast %select_n3A_220 : vector<16xf32> to vector<16xf32>
        tpu.vector_store %arg7[%swap3A_221], %swap3A_224 {strides = array<i32>} : memref<40960xf32, #tpu.memory_space<vmem>>, vector<16xf32>,
      }
      %scan3A_44 = arith.constant 320 : i32
      %dma_start3A = arith.constant 0 : i32
      %dma_start3A_45 = tpu.memref_slice %arg5[%add3A_32, %dma_start3A] : memref<512x40960xf32, #tpu.memory_space<hbm>> -> memref<1x40960xf32, #tpu.memory_space<hbm>>
      %dma_start3A_46 = tpu.memref_squeeze %dma_start3A_45 : memref<1x40960xf32, #tpu.memory_space<hbm>> -> memref<40960xf32, #tpu.memory_space<hbm>>
      %dma_start3A_47 = arith.constant 0 : i32
      %dma_start3A_48 = tpu.memref_slice %arg5[%add3A_32, %dma_start3A_47] : memref<512x40960xf32, #tpu.memory_space<hbm>> -> memref<1x40960xf32, #tpu.memory_space<hbm>>
      %dma_start3A_49 = tpu.memref_squeeze %dma_start3A_48 : memref<1x40960xf32, #tpu.memory_space<hbm>> -> memref<40960xf32, #tpu.memory_space<hbm>>
      tpu.enqueue_dma source(%arg7 : memref<40960xf32, #tpu.memory_space<vmem>>) target(%dma_start3A_49 : memref<40960xf32, #tpu.memory_space<hbm>>) target_semaphore(%arg10 : memref<!tpu.dma_semaphore, #tpu.memory_space<semaphore_mem>>)
      %mul3A_50 = arith.constant 2 : i32
      %mul3A_51 = arith.muli %scan3A_27, %mul3A_50 : i32
      %add3A_52 = arith.constant 1 : i32
      %add3A_53 = arith.addi %mul3A_51, %add3A_52 : i32
      %add3A_54 = arith.addi %mul3A_2, %add3A_53 : i32
      %mul3A_55 = arith.constant 16 : i32
      %mul3A_56 = arith.muli %add3A_53, %mul3A_55 : i32
      %get3A_57 = arith.index_cast %mul3A_56 : i32 to index
      %get3A_58 = tpu.vector_load %arg9[%get3A_57] {strides = array<i32>} : memref<256xf32, #tpu.memory_space<vmem>>, vector<16xf32>,
      %get3A_59 = vector.shape_cast %get3A_58 : vector<16xf32> to vector<16xf32>
      %gt3A_60 = arith.constant 0 : i32
      %gt3A_61 = arith.cmpi sgt, %scan3A_27, %gt3A_60 : i32
      %convert_element_type3A_62 = arith.extui %gt3A_61 : i1 to i32
      %cond3A_63 = arith.constant 0 : i32
      %cond3A_64 = arith.cmpi ne, %convert_element_type3A_62, %cond3A_63 : i32
      scf.if %cond3A_64 {
        %dma_wait3A_77 = arith.constant 0 : i32
        %dma_wait3A_78 = tpu.memref_slice %arg5[%mul3A_2, %dma_wait3A_77] : memref<512x40960xf32, #tpu.memory_space<hbm>> -> memref<1x40960xf32, #tpu.memory_space<hbm>>
        %dma_wait3A_79 = tpu.memref_squeeze %dma_wait3A_78 : memref<1x40960xf32, #tpu.memory_space<hbm>> -> memref<40960xf32, #tpu.memory_space<hbm>>
        %dma_wait3A_80 = arith.constant 0 : i32
        %dma_wait3A_81 = tpu.memref_slice %arg5[%mul3A_2, %dma_wait3A_80] : memref<512x40960xf32, #tpu.memory_space<hbm>> -> memref<1x40960xf32, #tpu.memory_space<hbm>>
        %dma_wait3A_82 = tpu.memref_squeeze %dma_wait3A_81 : memref<1x40960xf32, #tpu.memory_space<hbm>> -> memref<40960xf32, #tpu.memory_space<hbm>>
        tpu.wait_dma2 semaphore(%arg11 : memref<!tpu.dma_semaphore, #tpu.memory_space<semaphore_mem>>) src(%arg8 : memref<40960xf32, #tpu.memory_space<vmem>>) dst(%dma_wait3A_82 : memref<40960xf32, #tpu.memory_space<hbm>>)
      } else {
      }
      %scan3A_65 = arith.constant 0 : i32
      %scan3A_66 = arith.constant 0 : i32
      %scan3A_67 = arith.constant 320 : i32
      %scan3A_68 = arith.addi %scan3A_66, %scan3A_67 : i32
      %scan3A_69 = arith.constant 1 : i32
      scf.for %scan3A_77 = %scan3A_66 to %scan3A_68 step %scan3A_69  : i32 {
        %mul3A_78 = arith.constant 8 : i32
        %mul3A_79 = arith.muli %scan3A_77, %mul3A_78 : i32
        %add3A_80 = arith.constant 0 : i32
        %add3A_81 = arith.addi %mul3A_79, %add3A_80 : i32
        %mul3A_82 = arith.constant 16 : i32
        %mul3A_83 = arith.muli %add3A_81, %mul3A_82 : i32
        %get3A_84 = arith.index_cast %mul3A_83 : i32 to index
        %get3A_85 = tpu.vector_load %arg6[%get3A_84] {strides = array<i32>} : memref<40960xf32, #tpu.memory_space<vmem>>, vector<16xf32>,
        %get3A_86 = vector.shape_cast %get3A_85 : vector<16xf32> to vector<16xf32>
        %ge3A = arith.cmpf oge, %get3A_86, %get3A_59 : vector<16xf32>
        %jit3A = arith.constant 1.000000e+00 : f32
        %jit3A_87 = arith.constant 0.000000e+00 : f32
        %broadcast_in_dim3A = vector.broadcast %jit3A : f32 to vector<16xf32>
        %broadcast_in_dim3A_88 = vector.broadcast %jit3A_87 : f32 to vector<16xf32>
        %select_n3A = arith.select %ge3A, %broadcast_in_dim3A, %broadcast_in_dim3A_88 : vector<16xi1>, vector<16xf32>
        %swap3A = arith.index_cast %mul3A_83 : i32 to index
        %swap3A_89 = tpu.vector_load %arg8[%swap3A] {strides = array<i32>} : memref<40960xf32, #tpu.memory_space<vmem>>, vector<16xf32>,
        %swap3A_90 = vector.shape_cast %swap3A_89 : vector<16xf32> to vector<16xf32>
        %swap3A_91 = vector.shape_cast %select_n3A : vector<16xf32> to vector<16xf32>
        tpu.vector_store %arg8[%swap3A], %swap3A_91 {strides = array<i32>} : memref<40960xf32, #tpu.memory_space<vmem>>, vector<16xf32>,
        %mul3A_92 = arith.constant 8 : i32
        %mul3A_93 = arith.muli %scan3A_77, %mul3A_92 : i32
        %add3A_94 = arith.constant 1 : i32
        %add3A_95 = arith.addi %mul3A_93, %add3A_94 : i32
        %mul3A_96 = arith.constant 16 : i32
        %mul3A_97 = arith.muli %add3A_95, %mul3A_96 : i32
        %get3A_98 = arith.index_cast %mul3A_97 : i32 to index
        %get3A_99 = tpu.vector_load %arg6[%get3A_98] {strides = array<i32>} : memref<40960xf32, #tpu.memory_space<vmem>>, vector<16xf32>,
        %get3A_100 = vector.shape_cast %get3A_99 : vector<16xf32> to vector<16xf32>
        %ge3A_101 = arith.cmpf oge, %get3A_100, %get3A_59 : vector<16xf32>
        %jit3A_102 = arith.constant 1.000000e+00 : f32
        %jit3A_103 = arith.constant 0.000000e+00 : f32
        %broadcast_in_dim3A_104 = vector.broadcast %jit3A_102 : f32 to vector<16xf32>
        %broadcast_in_dim3A_105 = vector.broadcast %jit3A_103 : f32 to vector<16xf32>
        %select_n3A_106 = arith.select %ge3A_101, %broadcast_in_dim3A_104, %broadcast_in_dim3A_105 : vector<16xi1>, vector<16xf32>
        %swap3A_107 = arith.index_cast %mul3A_97 : i32 to index
        %swap3A_108 = tpu.vector_load %arg8[%swap3A_107] {strides = array<i32>} : memref<40960xf32, #tpu.memory_space<vmem>>, vector<16xf32>,
        %swap3A_109 = vector.shape_cast %swap3A_108 : vector<16xf32> to vector<16xf32>
        %swap3A_110 = vector.shape_cast %select_n3A_106 : vector<16xf32> to vector<16xf32>
        tpu.vector_store %arg8[%swap3A_107], %swap3A_110 {strides = array<i32>} : memref<40960xf32, #tpu.memory_space<vmem>>, vector<16xf32>,
        %mul3A_111 = arith.constant 8 : i32
        %mul3A_112 = arith.muli %scan3A_77, %mul3A_111 : i32
        %add3A_113 = arith.constant 2 : i32
        %add3A_114 = arith.addi %mul3A_112, %add3A_113 : i32
        %mul3A_115 = arith.constant 16 : i32
        %mul3A_116 = arith.muli %add3A_114, %mul3A_115 : i32
        %get3A_117 = arith.index_cast %mul3A_116 : i32 to index
        %get3A_118 = tpu.vector_load %arg6[%get3A_117] {strides = array<i32>} : memref<40960xf32, #tpu.memory_space<vmem>>, vector<16xf32>,
        %get3A_119 = vector.shape_cast %get3A_118 : vector<16xf32> to vector<16xf32>
        %ge3A_120 = arith.cmpf oge, %get3A_119, %get3A_59 : vector<16xf32>
        %jit3A_121 = arith.constant 1.000000e+00 : f32
        %jit3A_122 = arith.constant 0.000000e+00 : f32
        %broadcast_in_dim3A_123 = vector.broadcast %jit3A_121 : f32 to vector<16xf32>
        %broadcast_in_dim3A_124 = vector.broadcast %jit3A_122 : f32 to vector<16xf32>
        %select_n3A_125 = arith.select %ge3A_120, %broadcast_in_dim3A_123, %broadcast_in_dim3A_124 : vector<16xi1>, vector<16xf32>
        %swap3A_126 = arith.index_cast %mul3A_116 : i32 to index
        %swap3A_127 = tpu.vector_load %arg8[%swap3A_126] {strides = array<i32>} : memref<40960xf32, #tpu.memory_space<vmem>>, vector<16xf32>,
        %swap3A_128 = vector.shape_cast %swap3A_127 : vector<16xf32> to vector<16xf32>
        %swap3A_129 = vector.shape_cast %select_n3A_125 : vector<16xf32> to vector<16xf32>
        tpu.vector_store %arg8[%swap3A_126], %swap3A_129 {strides = array<i32>} : memref<40960xf32, #tpu.memory_space<vmem>>, vector<16xf32>,
        %mul3A_130 = arith.constant 8 : i32
        %mul3A_131 = arith.muli %scan3A_77, %mul3A_130 : i32
        %add3A_132 = arith.constant 3 : i32
        %add3A_133 = arith.addi %mul3A_131, %add3A_132 : i32
        %mul3A_134 = arith.constant 16 : i32
        %mul3A_135 = arith.muli %add3A_133, %mul3A_134 : i32
        %get3A_136 = arith.index_cast %mul3A_135 : i32 to index
        %get3A_137 = tpu.vector_load %arg6[%get3A_136] {strides = array<i32>} : memref<40960xf32, #tpu.memory_space<vmem>>, vector<16xf32>,
        %get3A_138 = vector.shape_cast %get3A_137 : vector<16xf32> to vector<16xf32>
        %ge3A_139 = arith.cmpf oge, %get3A_138, %get3A_59 : vector<16xf32>
        %jit3A_140 = arith.constant 1.000000e+00 : f32
        %jit3A_141 = arith.constant 0.000000e+00 : f32
        %broadcast_in_dim3A_142 = vector.broadcast %jit3A_140 : f32 to vector<16xf32>
        %broadcast_in_dim3A_143 = vector.broadcast %jit3A_141 : f32 to vector<16xf32>
        %select_n3A_144 = arith.select %ge3A_139, %broadcast_in_dim3A_142, %broadcast_in_dim3A_143 : vector<16xi1>, vector<16xf32>
        %swap3A_145 = arith.index_cast %mul3A_135 : i32 to index
        %swap3A_146 = tpu.vector_load %arg8[%swap3A_145] {strides = array<i32>} : memref<40960xf32, #tpu.memory_space<vmem>>, vector<16xf32>,
        %swap3A_147 = vector.shape_cast %swap3A_146 : vector<16xf32> to vector<16xf32>
        %swap3A_148 = vector.shape_cast %select_n3A_144 : vector<16xf32> to vector<16xf32>
        tpu.vector_store %arg8[%swap3A_145], %swap3A_148 {strides = array<i32>} : memref<40960xf32, #tpu.memory_space<vmem>>, vector<16xf32>,
        %mul3A_149 = arith.constant 8 : i32
        %mul3A_150 = arith.muli %scan3A_77, %mul3A_149 : i32
        %add3A_151 = arith.constant 4 : i32
        %add3A_152 = arith.addi %mul3A_150, %add3A_151 : i32
        %mul3A_153 = arith.constant 16 : i32
        %mul3A_154 = arith.muli %add3A_152, %mul3A_153 : i32
        %get3A_155 = arith.index_cast %mul3A_154 : i32 to index
        %get3A_156 = tpu.vector_load %arg6[%get3A_155] {strides = array<i32>} : memref<40960xf32, #tpu.memory_space<vmem>>, vector<16xf32>,
        %get3A_157 = vector.shape_cast %get3A_156 : vector<16xf32> to vector<16xf32>
        %ge3A_158 = arith.cmpf oge, %get3A_157, %get3A_59 : vector<16xf32>
        %jit3A_159 = arith.constant 1.000000e+00 : f32
        %jit3A_160 = arith.constant 0.000000e+00 : f32
        %broadcast_in_dim3A_161 = vector.broadcast %jit3A_159 : f32 to vector<16xf32>
        %broadcast_in_dim3A_162 = vector.broadcast %jit3A_160 : f32 to vector<16xf32>
        %select_n3A_163 = arith.select %ge3A_158, %broadcast_in_dim3A_161, %broadcast_in_dim3A_162 : vector<16xi1>, vector<16xf32>
        %swap3A_164 = arith.index_cast %mul3A_154 : i32 to index
        %swap3A_165 = tpu.vector_load %arg8[%swap3A_164] {strides = array<i32>} : memref<40960xf32, #tpu.memory_space<vmem>>, vector<16xf32>,
        %swap3A_166 = vector.shape_cast %swap3A_165 : vector<16xf32> to vector<16xf32>
        %swap3A_167 = vector.shape_cast %select_n3A_163 : vector<16xf32> to vector<16xf32>
        tpu.vector_store %arg8[%swap3A_164], %swap3A_167 {strides = array<i32>} : memref<40960xf32, #tpu.memory_space<vmem>>, vector<16xf32>,
        %mul3A_168 = arith.constant 8 : i32
        %mul3A_169 = arith.muli %scan3A_77, %mul3A_168 : i32
        %add3A_170 = arith.constant 5 : i32
        %add3A_171 = arith.addi %mul3A_169, %add3A_170 : i32
        %mul3A_172 = arith.constant 16 : i32
        %mul3A_173 = arith.muli %add3A_171, %mul3A_172 : i32
        %get3A_174 = arith.index_cast %mul3A_173 : i32 to index
        %get3A_175 = tpu.vector_load %arg6[%get3A_174] {strides = array<i32>} : memref<40960xf32, #tpu.memory_space<vmem>>, vector<16xf32>,
        %get3A_176 = vector.shape_cast %get3A_175 : vector<16xf32> to vector<16xf32>
        %ge3A_177 = arith.cmpf oge, %get3A_176, %get3A_59 : vector<16xf32>
        %jit3A_178 = arith.constant 1.000000e+00 : f32
        %jit3A_179 = arith.constant 0.000000e+00 : f32
        %broadcast_in_dim3A_180 = vector.broadcast %jit3A_178 : f32 to vector<16xf32>
        %broadcast_in_dim3A_181 = vector.broadcast %jit3A_179 : f32 to vector<16xf32>
        %select_n3A_182 = arith.select %ge3A_177, %broadcast_in_dim3A_180, %broadcast_in_dim3A_181 : vector<16xi1>, vector<16xf32>
        %swap3A_183 = arith.index_cast %mul3A_173 : i32 to index
        %swap3A_184 = tpu.vector_load %arg8[%swap3A_183] {strides = array<i32>} : memref<40960xf32, #tpu.memory_space<vmem>>, vector<16xf32>,
        %swap3A_185 = vector.shape_cast %swap3A_184 : vector<16xf32> to vector<16xf32>
        %swap3A_186 = vector.shape_cast %select_n3A_182 : vector<16xf32> to vector<16xf32>
        tpu.vector_store %arg8[%swap3A_183], %swap3A_186 {strides = array<i32>} : memref<40960xf32, #tpu.memory_space<vmem>>, vector<16xf32>,
        %mul3A_187 = arith.constant 8 : i32
        %mul3A_188 = arith.muli %scan3A_77, %mul3A_187 : i32
        %add3A_189 = arith.constant 6 : i32
        %add3A_190 = arith.addi %mul3A_188, %add3A_189 : i32
        %mul3A_191 = arith.constant 16 : i32
        %mul3A_192 = arith.muli %add3A_190, %mul3A_191 : i32
        %get3A_193 = arith.index_cast %mul3A_192 : i32 to index
        %get3A_194 = tpu.vector_load %arg6[%get3A_193] {strides = array<i32>} : memref<40960xf32, #tpu.memory_space<vmem>>, vector<16xf32>,
        %get3A_195 = vector.shape_cast %get3A_194 : vector<16xf32> to vector<16xf32>
        %ge3A_196 = arith.cmpf oge, %get3A_195, %get3A_59 : vector<16xf32>
        %jit3A_197 = arith.constant 1.000000e+00 : f32
        %jit3A_198 = arith.constant 0.000000e+00 : f32
        %broadcast_in_dim3A_199 = vector.broadcast %jit3A_197 : f32 to vector<16xf32>
        %broadcast_in_dim3A_200 = vector.broadcast %jit3A_198 : f32 to vector<16xf32>
        %select_n3A_201 = arith.select %ge3A_196, %broadcast_in_dim3A_199, %broadcast_in_dim3A_200 : vector<16xi1>, vector<16xf32>
        %swap3A_202 = arith.index_cast %mul3A_192 : i32 to index
        %swap3A_203 = tpu.vector_load %arg8[%swap3A_202] {strides = array<i32>} : memref<40960xf32, #tpu.memory_space<vmem>>, vector<16xf32>,
        %swap3A_204 = vector.shape_cast %swap3A_203 : vector<16xf32> to vector<16xf32>
        %swap3A_205 = vector.shape_cast %select_n3A_201 : vector<16xf32> to vector<16xf32>
        tpu.vector_store %arg8[%swap3A_202], %swap3A_205 {strides = array<i32>} : memref<40960xf32, #tpu.memory_space<vmem>>, vector<16xf32>,
        %mul3A_206 = arith.constant 8 : i32
        %mul3A_207 = arith.muli %scan3A_77, %mul3A_206 : i32
        %add3A_208 = arith.constant 7 : i32
        %add3A_209 = arith.addi %mul3A_207, %add3A_208 : i32
        %mul3A_210 = arith.constant 16 : i32
        %mul3A_211 = arith.muli %add3A_209, %mul3A_210 : i32
        %get3A_212 = arith.index_cast %mul3A_211 : i32 to index
        %get3A_213 = tpu.vector_load %arg6[%get3A_212] {strides = array<i32>} : memref<40960xf32, #tpu.memory_space<vmem>>, vector<16xf32>,
        %get3A_214 = vector.shape_cast %get3A_213 : vector<16xf32> to vector<16xf32>
        %ge3A_215 = arith.cmpf oge, %get3A_214, %get3A_59 : vector<16xf32>
        %jit3A_216 = arith.constant 1.000000e+00 : f32
        %jit3A_217 = arith.constant 0.000000e+00 : f32
        %broadcast_in_dim3A_218 = vector.broadcast %jit3A_216 : f32 to vector<16xf32>
        %broadcast_in_dim3A_219 = vector.broadcast %jit3A_217 : f32 to vector<16xf32>
        %select_n3A_220 = arith.select %ge3A_215, %broadcast_in_dim3A_218, %broadcast_in_dim3A_219 : vector<16xi1>, vector<16xf32>
        %swap3A_221 = arith.index_cast %mul3A_211 : i32 to index
        %swap3A_222 = tpu.vector_load %arg8[%swap3A_221] {strides = array<i32>} : memref<40960xf32, #tpu.memory_space<vmem>>, vector<16xf32>,
        %swap3A_223 = vector.shape_cast %swap3A_222 : vector<16xf32> to vector<16xf32>
        %swap3A_224 = vector.shape_cast %select_n3A_220 : vector<16xf32> to vector<16xf32>
        tpu.vector_store %arg8[%swap3A_221], %swap3A_224 {strides = array<i32>} : memref<40960xf32, #tpu.memory_space<vmem>>, vector<16xf32>,
      }
      %scan3A_70 = arith.constant 320 : i32
      %dma_start3A_71 = arith.constant 0 : i32
      %dma_start3A_72 = tpu.memref_slice %arg5[%add3A_54, %dma_start3A_71] : memref<512x40960xf32, #tpu.memory_space<hbm>> -> memref<1x40960xf32, #tpu.memory_space<hbm>>
      %dma_start3A_73 = tpu.memref_squeeze %dma_start3A_72 : memref<1x40960xf32, #tpu.memory_space<hbm>> -> memref<40960xf32, #tpu.memory_space<hbm>>
      %dma_start3A_74 = arith.constant 0 : i32
      %dma_start3A_75 = tpu.memref_slice %arg5[%add3A_54, %dma_start3A_74] : memref<512x40960xf32, #tpu.memory_space<hbm>> -> memref<1x40960xf32, #tpu.memory_space<hbm>>
      %dma_start3A_76 = tpu.memref_squeeze %dma_start3A_75 : memref<1x40960xf32, #tpu.memory_space<hbm>> -> memref<40960xf32, #tpu.memory_space<hbm>>
      tpu.enqueue_dma source(%arg8 : memref<40960xf32, #tpu.memory_space<vmem>>) target(%dma_start3A_76 : memref<40960xf32, #tpu.memory_space<hbm>>) target_semaphore(%arg11 : memref<!tpu.dma_semaphore, #tpu.memory_space<semaphore_mem>>)
    }
    %scan3A_15 = arith.constant 8 : i32
    %dma_wait3A = arith.constant 0 : i32
    %dma_wait3A_16 = tpu.memref_slice %arg5[%mul3A_2, %dma_wait3A] : memref<512x40960xf32, #tpu.memory_space<hbm>> -> memref<1x40960xf32, #tpu.memory_space<hbm>>
    %dma_wait3A_17 = tpu.memref_squeeze %dma_wait3A_16 : memref<1x40960xf32, #tpu.memory_space<hbm>> -> memref<40960xf32, #tpu.memory_space<hbm>>
    %dma_wait3A_18 = arith.constant 0 : i32
    %dma_wait3A_19 = tpu.memref_slice %arg5[%mul3A_2, %dma_wait3A_18] : memref<512x40960xf32, #tpu.memory_space<hbm>> -> memref<1x40960xf32, #tpu.memory_space<hbm>>
    %dma_wait3A_20 = tpu.memref_squeeze %dma_wait3A_19 : memref<1x40960xf32, #tpu.memory_space<hbm>> -> memref<40960xf32, #tpu.memory_space<hbm>>
    tpu.wait_dma2 semaphore(%arg10 : memref<!tpu.dma_semaphore, #tpu.memory_space<semaphore_mem>>) src(%arg7 : memref<40960xf32, #tpu.memory_space<vmem>>) dst(%dma_wait3A_20 : memref<40960xf32, #tpu.memory_space<hbm>>)
    %dma_wait3A_21 = arith.constant 0 : i32
    %dma_wait3A_22 = tpu.memref_slice %arg5[%mul3A_2, %dma_wait3A_21] : memref<512x40960xf32, #tpu.memory_space<hbm>> -> memref<1x40960xf32, #tpu.memory_space<hbm>>
    %dma_wait3A_23 = tpu.memref_squeeze %dma_wait3A_22 : memref<1x40960xf32, #tpu.memory_space<hbm>> -> memref<40960xf32, #tpu.memory_space<hbm>>
    %dma_wait3A_24 = arith.constant 0 : i32
    %dma_wait3A_25 = tpu.memref_slice %arg5[%mul3A_2, %dma_wait3A_24] : memref<512x40960xf32, #tpu.memory_space<hbm>> -> memref<1x40960xf32, #tpu.memory_space<hbm>>
    %dma_wait3A_26 = tpu.memref_squeeze %dma_wait3A_25 : memref<1x40960xf32, #tpu.memory_space<hbm>> -> memref<40960xf32, #tpu.memory_space<hbm>>
    tpu.wait_dma2 semaphore(%arg11 : memref<!tpu.dma_semaphore, #tpu.memory_space<semaphore_mem>>) src(%arg8 : memref<40960xf32, #tpu.memory_space<vmem>>) dst(%dma_wait3A_26 : memref<40960xf32, #tpu.memory_space<hbm>>)
    return
  }
}

module attributes {stable_mosaic.version = 14 : i64} {
  func.func @_tc_ratio_body(%arg0: memref<1x40960xf32, #tpu.memory_space<vmem>>, %arg1: memref<1x40960xf32, #tpu.memory_space<vmem>>, %arg2: memref<1x40960xf32, #tpu.memory_space<vmem>>) attributes {dimension_semantics = [], scalar_prefetch = 0 : i64, scratch_operands = 0 : i64, tpu.core_type = #tpu.core_type<tc>} {
    %get3A = arith.constant 0 : index
    %get3A_0 = arith.constant 0 : index
    %get3A_1 = vector.load %arg0[%get3A, %get3A_0] : memref<1x40960xf32, #tpu.memory_space<vmem>>, vector<1x40960xf32>
    %get3A_2 = arith.constant 0 : index
    %get3A_3 = arith.constant 0 : index
    %get3A_4 = vector.load %arg1[%get3A_2, %get3A_3] : memref<1x40960xf32, #tpu.memory_space<vmem>>, vector<1x40960xf32>
    %div3A = arith.divf %get3A_1, %get3A_4 : vector<1x40960xf32>
    %swap3A = arith.constant 0 : index
    %swap3A_5 = arith.constant 0 : index
    %swap3A_6 = vector.load %arg2[%swap3A, %swap3A_5] : memref<1x40960xf32, #tpu.memory_space<vmem>>, vector<1x40960xf32>
    tpu.vector_store %arg2[%swap3A, %swap3A_5], %div3A {strides = array<i32>} : memref<1x40960xf32, #tpu.memory_space<vmem>>, vector<1x40960xf32>,
    return
  }
}

module attributes {stable_mosaic.version = 14 : i64} {
  func.func @_tc_body(%arg0: i32, %arg1: memref<1x40960xf32, #tpu.memory_space<vmem>>, %arg2: memref<32x128xf32, #tpu.memory_space<vmem>>, %arg3: memref<32x40960xf32, #tpu.memory_space<vmem>>) attributes {dimension_semantics = [#tpu.dimension_semantics<arbitrary>], iteration_bounds = array<i64: 16>, scalar_prefetch = 0 : i64, scratch_operands = 0 : i64, tpu.core_type = #tpu.core_type<tc>, window_params = [{pipeline_mode = #tpu.pipeline_mode<synchronous>, transform_indices = @transform_0, window_bounds = array<i64: 1, 40960>}, {transform_indices = @transform_1, window_bounds = array<i64: 32, 128>}, {transform_indices = @transform_2, window_bounds = array<i64: 32, 40960>}]} {
    %get3A = arith.constant 0 : index
    %get3A_0 = arith.constant 0 : index
    %get3A_1 = vector.load %arg2[%get3A, %get3A_0] : memref<32x128xf32, #tpu.memory_space<vmem>>, vector<32x1xf32>
    %get3A_2 = arith.constant 0 : index
    %get3A_3 = arith.constant 0 : index
    %get3A_4 = vector.load %arg1[%get3A_2, %get3A_3] : memref<1x40960xf32, #tpu.memory_space<vmem>>, vector<1x40960xf32>
    %ge3A = vector.broadcast %get3A_4 : vector<1x40960xf32> to vector<32x40960xf32>
    %ge3A_5 = vector.broadcast %get3A_1 : vector<32x1xf32> to vector<32x40960xf32>
    %ge3A_6 = arith.cmpf oge, %ge3A, %ge3A_5 : vector<32x40960xf32>
    %jit3A = arith.constant 1.000000e+00 : f32
    %jit3A_7 = arith.constant 0.000000e+00 : f32
    %broadcast_in_dim3A = vector.broadcast %jit3A : f32 to vector<32x40960xf32>
    %broadcast_in_dim3A_8 = vector.broadcast %jit3A_7 : f32 to vector<32x40960xf32>
    %select_n3A = arith.select %ge3A_6, %broadcast_in_dim3A, %broadcast_in_dim3A_8 : vector<32x40960xi1>, vector<32x40960xf32>
    %swap3A = arith.constant 0 : index
    %swap3A_9 = arith.constant 0 : index
    %swap3A_10 = vector.load %arg3[%swap3A, %swap3A_9] : memref<32x40960xf32, #tpu.memory_space<vmem>>, vector<32x40960xf32>
    tpu.vector_store %arg3[%swap3A, %swap3A_9], %select_n3A {strides = array<i32>} : memref<32x40960xf32, #tpu.memory_space<vmem>>, vector<32x40960xf32>,
    return
  }
  func.func @transform_0(%arg0: i32) -> (i32, i32) {
    %c0_i32 = arith.constant 0 : i32
    %c0_i32_0 = arith.constant 0 : i32
    %c0_i32_1 = arith.constant 0 : i32
    return %c0_i32, %c0_i32_0 : i32, i32
  }
  func.func @transform_1(%arg0: i32) -> (i32, i32) {
    %c0_i32 = arith.constant 0 : i32
    %c0_i32_0 = arith.constant 0 : i32
    return %arg0, %c0_i32 : i32, i32
  }
  func.func @transform_2(%arg0: i32) -> (i32, i32) {
    %c0_i32 = arith.constant 0 : i32
    %c0_i32_0 = arith.constant 0 : i32
    return %arg0, %c0_i32 : i32, i32
  }
}

</mosaic_0001>

<sc_bundles>
// kernel: kernel.5.cloned.1.call-start
scs
__scs_entry_jumppad:
0x0: {  	(pc) =	sbr.rel $0x88, $3  }
0x1: {  	(tag) =	ssettag $0x0;
	lr =	simm.s32 $0x1  }
0x2: {  	[smem:$0x3F9F] =	sst lr;
	_ =	strace $0xD0000000  }
0x3: {  	_ = 	snop  }
0x4: {  	_ = 	snop  }
0x5: {  	_ = 	snop  }
0x6: {  	_ = 	snop  }
0x7: {  	_ = 	snop  }
__scs_overlays_trampoline_lowered:
0x8: {  	[smem:$0x3FAE] =	sst s0  }
0x9: {  	[smem:$0x3FAF] =	sst s1  }
0xa: {  	[smem:$0x3FB0] =	sst s2  }
0xb: {  	[smem:$0x3FB1] =	sst s3  }
0xc: {  	[smem:$0x3FB2] =	sst s4  }
0xd: {  	[smem:$0x3FB3] =	sst s5  }
0xe: {  	[smem:$0x3FB4] =	sst s6  }
0xf: {  	[smem:$0x3FB5] =	sst s7  }
0x10: {  	[smem:$0x3FB6] =	sst s8  }
0x11: {  	[smem:$0x3FB7] =	sst s9;
	s0 =	simm.s32 @!p0 $0x0  }
0x12: {  	s1 =	sld [smem:$0x3F9D];
	s0 =	simm.s32 @p0 $0x1  }
0x13: {  	[smem:$0x3FB8] =	sst s0;
	s0 =	simm.s32 @!p1 $0x0  }
0x14: {  	s2 =	sld [smem:$0x3F9C];
	s0 =	simm.s32 @p1 $0x1  }
0x15: {  	[smem:$0x3FB9] =	sst s0;
	s0 =	simm.s32 @!p2 $0x0  }
0x16: {  	s3 =	sld [smem:$0x3FDB];
	s0 =	simm.s32 @p2 $0x1  }
0x17: {  	s4 =	simm.s32 $0x1BF5;
	[smem:$0x3FBB] =	sst s0  }
0x18: {  	s0 =	sld [smem:$0x3F9E];
	_ =	swait.ge [sflag:s4], $0x0  }
0x19: {  	s7 =	sld [smem:$0x3F9F]  }
0x1a: {  	s8 =	sadd.s32 $0xFFFFE003, lr  }
0x1b: {  	s9 =	sadd.s32 $0xFFFFFEF7, lr;
	s5 =	simm.s32 $0xFFFFFFFF;
	p2 =	slt.u32 s8, $0xFFFFF086  }
0x1c: {  	p1 =	slt.u32 s9, $0xF7A;
	s5 =	simm.s32 @!p2 $0x0  }
0x1d: {  	s5 =	simm.s32 @p1 $0x1;
	p0 =	seq.s32 s7, s2  }
0x1e: {  	s7 =	smul.u32 @!p0 $0xF7A, s2;
	p2 =	seq.s32 @!p0 s5, $0x0  }
0x1f: {  	s9 =	smul.u32 $0xF7A, s1;
	s8 =	simm.s32 @!p0 $0x1BF5;
	p2 =	por !p2, p0  }
0x20: {  	[sflag:s8] =	ssyncset.s32 @!p0 $0xFFFFF086;
	s6 =	sadd.s32 @!p0 s3, s7;
	s7 =	simm.s32 @!p0 $0x108  }
0x21: {  	s3 =	sadd.s32 s3, s9;
	s6 =	sadd.s32 @!p0 $0x88, s6;
	s7 =	simm.s32 @p2 $0x1082  }
0x22: {  	[simem:s7], [sflag:s8] =	dma.local @!p0 [hbm:s6], $0xF7A  }
0x23: {  	s9 =	sor.u32 $0xD0000000, s2;
	s6 =	simm.s32 $0x108;
	_ =	swait.ge @!p0 [sflag:s8], $0x0  }
0x24: {  	s3 =	sadd.s32 $0x88, s3;
	s6 =	simm.s32 @!p1 $0x1082;
	[sflag:s4] =	ssyncset.s32 $0xFFFFF086  }
0x25: {  	[simem:s6], [sflag:s4] =	dma.local [hbm:s3], $0xF7A  }
0x26: {  	[smem:$0x3F9F] =	sst s1;
	(tag) =	ssettag s2;
	_ =	strace s9  }
0x27: {  	s1 =	sld [smem:$0x3FAF]  }
0x28: {  	s2 =	sld [smem:$0x3FB0]  }
0x29: {  	s4 =	sld [smem:$0x3FB2]  }
0x2a: {  	p0 =	seq.s32 s5, $0x0;
	s5 =	sld [smem:$0x3FB3]  }
0x2b: {  	s6 =	sld [smem:$0x3FB4]  }
0x2c: {  	s7 =	sld [smem:$0x3FB5]  }
0x2d: {  	s3 =	simm.s32 $0x108;
	s8 =	sld [smem:$0x3FB6]  }
0x2e: {  	s3 =	simm.s32 @!p0 $0x1082;
	s9 =	sld [smem:$0x3FB7]  }
0x2f: {  	lr =	sadd.s32 s0, s3;
	s0 =	sld [smem:$0x3FAE]  }
0x30: {  	s3 =	sld [smem:$0x3FB1]  }
0x31: {  	[smem:$0x3FBA] =	sst s10  }
0x32: {  	s10 =	sld [smem:$0x3FB8];
	_ =	sdelay $0x3  }
0x33: {  	p0 =	seq.s32 s10, $0x1;
	s10 =	sld [smem:$0x3FBA];
	_ =	sdelay $0x3  }
0x34: {  	[smem:$0x3FBA] =	sst s10  }
0x35: {  	s10 =	sld [smem:$0x3FB9];
	_ =	sdelay $0x3  }
0x36: {  	p1 =	seq.s32 s10, $0x1;
	s10 =	sld [smem:$0x3FBA];
	_ =	sdelay $0x3  }
0x37: {  	[smem:$0x3FBA] =	sst s10  }
0x38: {  	s10 =	sld [smem:$0x3FBB]  }
0x39: {  	_ = 	snop;
	(pc) =	sbr.ind lr, $3  }
0x3a: {  	_ = 	snop  }
0x3b: {  	_ = 	snop  }
0x3c: {  	p2 =	seq.s32 s10, $0x1;
	s10 =	sld [smem:$0x3FBA]  }
0x3d: {  	_ =	shalt  }
0x3e: {  	_ =	shalt  }
0x3f: {  	_ =	shalt  }
0x40: {  	_ =	shalt  }
0x41: {  	_ =	shalt  }
0x42: {  	_ =	shalt  }
0x43: {  	_ =	shalt  }
0x44: {  	_ =	shalt  }
0x45: {  	_ =	shalt  }
0x46: {  	_ =	shalt  }
0x47: {  	_ =	shalt  }
0x48: {  	_ =	shalt  }
0x49: {  	_ =	shalt  }
0x4a: {  	_ =	shalt  }
0x4b: {  	_ =	shalt  }
0x4c: {  	_ =	shalt  }
0x4d: {  	_ =	shalt  }
0x4e: {  	_ =	shalt  }
0x4f: {  	_ =	shalt  }
0x50: {  	_ =	shalt  }
0x51: {  	_ =	shalt  }
0x52: {  	_ =	shalt  }
0x53: {  	_ =	shalt  }
0x54: {  	_ =	shalt  }
0x55: {  	_ =	shalt  }
0x56: {  	_ =	shalt  }
0x57: {  	_ =	shalt  }
0x58: {  	_ =	shalt  }
0x59: {  	_ =	shalt  }
0x5a: {  	_ =	shalt  }
0x5b: {  	_ =	shalt  }
0x5c: {  	_ =	shalt  }
0x5d: {  	_ =	shalt  }
0x5e: {  	_ =	shalt  }
0x5f: {  	_ =	shalt  }
0x60: {  	_ =	shalt  }
0x61: {  	_ =	shalt  }
0x62: {  	_ =	shalt  }
0x63: {  	_ =	shalt  }
0x64: {  	_ =	shalt  }
0x65: {  	_ =	shalt  }
0x66: {  	_ =	shalt  }
0x67: {  	_ =	shalt  }
0x68: {  	_ =	shalt  }
0x69: {  	_ =	shalt  }
0x6a: {  	_ =	shalt  }
0x6b: {  	_ =	shalt  }
0x6c: {  	_ =	shalt  }
0x6d: {  	_ =	shalt  }
0x6e: {  	_ =	shalt  }
0x6f: {  	_ =	shalt  }
0x70: {  	_ =	shalt  }
0x71: {  	_ =	shalt  }
0x72: {  	_ =	shalt  }
0x73: {  	_ =	shalt  }
0x74: {  	_ =	shalt  }
0x75: {  	_ =	shalt  }
0x76: {  	_ =	shalt  }
0x77: {  	_ =	shalt  }
0x78: {  	_ =	shalt  }
0x79: {  	_ =	shalt  }
0x7a: {  	_ =	shalt  }
0x7b: {  	_ =	shalt  }
0x7c: {  	_ =	shalt  }
0x7d: {  	_ =	shalt  }
0x7e: {  	_ =	shalt  }
0x7f: {  	_ =	shalt  }
0x80: {  	_ =	shalt  }
0x81: {  	_ =	shalt  }
0x82: {  	_ =	shalt  }
0x83: {  	_ =	shalt  }
0x84: {  	_ =	shalt  }
0x85: {  	_ =	shalt  }
0x86: {  	_ =	shalt  }
0x87: {  	_ =	shalt  }
.Lfunc_end0:
.L_simem_size_0:
called_computation_lowered:
.L_overlay_start_0:
0x88: {  	s2 =	sld [smem:$0x3FD9]  }
0x89: {  	s3 =	sld [smem:$0x3FFE];
	_ =	sdelay $0x1  }
0x8a: {  	s1 =	srdreg.scid  }
0x8b: {  	s0 =	sand.u32 $0x1, s1  }
0x8c: {  	s14 =	sshll.u32 s0, $0xA;
	s2 =	sadd.s32 s3, s2  }
0x8d: {  	s2 =	sadd.s32 s2, s14  }
0x8e: {  	[smem:$0x3FC6] =	sst s2  }
0x8f: {  	_ = 	snop  }
0x90: {  	s2 =	sld [smem:$0x3FD0];
	_ =	sdelay $0x2  }
0x91: {  	s15 =	simm.s32 $0xA;
	s4 =	simm.s32 $0x10  }
0x92: {  	[smem:s4], [sflag:s15] =	dma.local [hbm:s2], $0x1  }
0x93: {  	_ =	swait.eq [sflag:s15], $0x1  }
0x94: {  	[sflag:s15] =	ssyncset.done $0x0  }
0x95: {  	[sflag:s15] =	ssyncadd.s32 $0xFFFFFFFF  }
0x96: {  	s16 =	sld [smem:$0x11];
	(tm) =	ssettm $0x1  }
0x97: {  	s17 =	sld [smem:$0x3FFB];
	_ =	sdelay $0x3  }
0x98: {  	_ =	strace s17  }
0x99: {  	s3 =	sld [smem:$0x3FFC];
	_ =	sdelay $0x3  }
0x9a: {  	_ =	strace s3  }
0x9b: {  	s3 =	sld [smem:$0x3FFD];
	_ =	sdelay $0x3  }
0x9c: {  	_ =	strace s3  }
0x9d: {  	_ =	strace $0x8FFFFFFF  }
0x9e: {  	s18 =	sld [smem:$0x3FDB];
	_ =	sdelay $0x1  }
0x9f: {  	s19 =	simm.s32 $_scs_section_size  }
0xa0: {  	s5 =	simm.s32 $_size__tile_overlayer_lowered;
	s6 =	simm.s32 $_tile_overlayer_lowered  }
0xa1: {  	s22 =	simm.s32 $0x1BFF;
	s21 =	sshll.u32 s6, $0x1;
	s3 =	sadd.s32 s19, s18  }
0xa2: {  	s7 =	simm.s32 $0x0;
	s20 =	sshll.u32 s5, $0x1;
	s5 =	sadd.s32 s21, s3  }
0xa3: {  	[timem:s7], [sflag:s22] =	dma.local [hbm:s5], s20  }
0xa4: {  	_ =	swait.ge [sflag:s22], s20  }
0xa5: {  	s4 =	ssub.s32 $0x0, s20;
	[sflag:s22] =	ssyncset.done $0x0  }
0xa6: {  	[sflag:s22] =	ssyncadd.s32 s4;
	_ =	sdelay $0x1  }
0xa7: {  	s23 =	simm.s32 $0x1B8B  }
0xa8: {  	_ =	swait.ge [sflag:s23], $0x1  }
0xa9: {  	[sflag:s23] =	ssyncset.done $0x0  }
0xaa: {  	s25 =	simm.s32 $0x1B8E;
	s24 =	sld [smem:$0x3FFE];
	[sflag:s23] =	ssyncadd.s32 $0xFFFFFFFF  }
0xab: {  	s26 =	simm.s32 $execute0_lowered;
	[smem:$0x3FD2] =	sst s25  }
0xac: {  	s5 =	sshll.u32 s26, $0x1;
	_ =	strace $0x80000046;
	[dreg:$0x1] =	wrdreg $0xFFFFFFFF  }
0xad: {  	s28 =	simm.s32 $_size_execute0_lowered;
	s3 =	sadd.s32 s3, s5;
	[dreg:$0x0] =	wrdreg $0x0  }
0xae: {  	s5 =	sshll.u32 s28, $0x1;
	[dreg:$0x2] =	wrdreg s3  }
0xaf: {  	[dreg:$0x3] =	wrdreg s5  }
0xb0: {  	[dreg:$0x4] =	wrdreg $0xC0  }
0xb1: {  	_ =	task [dreg:s7], $0x5FFFF  }
0xb2: {  	[dreg:$0x1] =	wrdreg $0xFFFFFFFF  }
0xb3: {  	[dreg:$0x0] =	wrdreg $0x60  }
0xb4: {  	[dreg:$0x2] =	wrdreg s24  }
0xb5: {  	[dreg:$0x3] =	wrdreg s16  }
0xb6: {  	[dreg:$0x4] =	wrdreg $0x9  }
0xb7: {  	_ =	task.clear_ibuf [dreg:s7], $0x5FFFF;
	_ =	strace $0x90000046  }
0xb8: {  	s29 =	simm.s32 $0x9;
	_ =	strace $0x80000048  }
0xb9: {  	_ =	swait.ge [sflag:s29], $0x1  }
0xba: {  	[sflag:s29] =	ssyncadd.s32 $0xFFFFFFFF  }
0xbb: {  	_ =	strace $0x90000048  }
0xbc: {  	_ =	sfence  }
0xbd: {  	s30 =	sld [smem:$0x0];
	_ =	sdelay $0x2  }
0xbe: {  	s31 =	sshll.u32 s1, $0xD;
	s1 =	sshrl.u32 s1, $0x2  }
0xbf: {  	s3 =	sand.u32 $0x4000, s31;
	s1 =	sadd.s32 s1, s30  }
0xc0: {  	s0 =	sor.u32 s3, s0;
	s1 =	sshll.u32 s1, $0x11  }
0xc1: {  	s0 =	sor.u32 s1, s0  }
0xc2: {  	s0 =	sadd.s32 $0x8F2B, s0  }
0xc3: {  	[sflag:s0] =	ssyncadd.remote.s32 $0x1  }
0xc4: {  	_ =	sfence.sel $0xFFFF  }
0xc5: {  	[dreg:$0x0] =	wrdreg $0xFFFFFFFF;
	(pc) =	sbr.abs _section_cstart, $3  }
0xc6: {  	[dreg:$0x1] =	wrdreg $0xFFFFFFFF  }
0xc7: {  	_ =	task.clear_ibuf [dreg:s7], $0x2FFFF;
	_ =	strace $0x9FFFFFFF  }
0xc8: {  	(tm) =	ssettm $0x7FFFFFFF  }
0xc9: {  	_ =	shalt  }
tec
execute0_lowered:
.L_overlay_start_1:
0x0: {  	(tag) =	ssettag $0x1  }
0x1: {  	s6 =	rddreg [dreg:$0x0]  }
0x2: {  	s1 =	rddreg [dreg:$0x1];
	s2 =	srdreg.scid  }
0x3: {  	s0 =	rddreg [dreg:$0x2];
	s3 =	simm.s32 $0x0;
	s11 =	simm.s32 $0x14000  }
0x4: {  	s12 =	simm.s32 $0x1E000;
	s13 =	simm.s32 $0x80;
	s14 =	simm.s32 $0x400  }
0x5: {  	s15 =	simm.s32 $0x1;
	s16 =	simm.s32 $0x2;
	s17 =	simm.s32 $0x0  }
0x6: {  	s4 =	sand.u32 $0x1, s2;
	[smem:$0x7FF] =	sst s3;
	s2 =	stileid.u32  }
0x7: {  	s5 =	sshll.u32 s4, $0x4;
	_ =	strace $0x80000047;
	s8 =	ssub.s32 $0x2, s4  }
0x8: {  	s4 =	sadd.s32 $0xC00, s6;
	s7 =	sor.u32 s2, s5;
	s10 =	sshrl.u32 s8, $0x1  }
0x9: {  	s5 =	sadd.s32 $0x2000, s6;
	s9 =	sshll.u32 s7, $0x5;
	s8 =	ssub.s32 s8, s10  }
0xa: {  	s10 =	simm.s32 $0x3;
	s9 =	sadd.s32 s9, s6;
	s6 =	sshll.u32 s7, $0x4  }
0xb: {  	v0 =	vimm.f32 $0.0e+00;
	s8 =	smax.u32 s8, $0x1;
	s7 =	sadd.s32 $0x800, s9;
	s9 =	simm.s32 $0xA000  }
.LBB2_1:
0xc: {  	[tilespmem:s9], [sflag:$0x3] =	stream.linear.gather [hbm4b:s4+s3], $0xA000, $0x38;
	[tilespmem:$0x1E100] =	vst v63  }
0xd: {  	_ =	swait.ge [sflag:s10], $0xA000  }
0xe: {  	[sflag:s10] =	ssyncset.done $0x0  }
0xf: {  	[sflag:s10] =	ssyncadd.s32 $0xFFFF6000  }
0x10: {  	[tilespmem:s11], [sflag:$0x3] =	stream.linear.gather [hbm4b:s5+s3], $0xA000, $0x38;
	[tilespmem:$0x1E100] =	vst v63  }
0x11: {  	_ =	swait.ge [sflag:s10], $0xA000  }
0x12: {  	[sflag:s10] =	ssyncset.done $0x0  }
0x13: {  	[sflag:s10] =	ssyncadd.s32 $0xFFFF6000  }
0x14: {  	[tilespmem:s12], [sflag:$0x3] =	stream.linear.gather [hbm4b:s7+s3], $0x100, $0x38;
	[tilespmem:$0x1E100] =	vst v63  }
0x15: {  	_ =	swait.ge [sflag:s10], $0x100  }
0x16: {  	[sflag:s10] =	ssyncset.done $0x0  }
0x17: {  	s18 =	simm.s32 $0x0;
	[sflag:s10] =	ssyncadd.s32 $0xFFFFFF00  }
0x18: {  	v1 =	vld [tilespmem:s18+$0x14070];
	_ =	sdelay $0x2  }
0x19: {  	v2 =	vld [tilespmem:s18+$0x14000]  }
0x1a: {  	v3 =	vld [tilespmem:s18+$0x14010]  }
0x1b: {  	v4 =	vld [tilespmem:s18+$0x14020];
	(erf) = vrcp.f32 v1  }
0x1c: {  	v8 =	vld [tilespmem:s18+$0x14030]  }
0x1d: {  	v9 =	vld [tilespmem:s18+$0x14040]  }
0x1e: {  	v1 =	vld [tilespmem:s18+$0x14050];
	(erf) = vrcp.f32 v2  }
0x1f: {  	v10 =	vld [tilespmem:s18+$0x14060];
	(erf) = vrcp.f32 v3  }
0x20: {  	v7 =	vld [tilespmem:s18+$0xA000];
	(erf) = vrcp.f32 v4  }
0x21: {  	v5 =	vld [tilespmem:s18+$0xA010];
	(erf) = vrcp.f32 v8  }
0x22: {  	v11 =	vld [tilespmem:s18+$0xA070];
	(erf) = vrcp.f32 v9  }
0x23: {  	v6 =	vld [tilespmem:s18+$0xA020];
	(erf) = vrcp.f32 v1  }
0x24: {  	v2 =	vld [tilespmem:s18+$0xA050];
	v8 =	vpop (erf);
	(erf) = vrcp.f32 v10  }
0x25: {  	v3 =	vld [tilespmem:s18+$0xA040]  }
0x26: {  	v4 =	vld [tilespmem:s18+$0xA030]  }
0x27: {  	s19 =	simm.s32 $0x80;
	s20 =	simm.s32 $0x400;
	v1 =	vld [tilespmem:s18+$0xA060];
	v8 =	vmul.f32 v8, v11;
	v9 =	vpop (erf)  }
.LBB2_2:
0x28: {  	p0 =	sne.s32 s20, $0x27E00;
	v10 =	vld [tilespmem:s19+$0x14070];
	v12 =	vmul.f32 v9, v7;
	v9 =	vpop (erf)  }
0x29: {  	v11 =	vld [tilespmem:s19+$0x14000];
	v13 =	vmul.f32 v9, v5;
	[tilespmem:s18+$0x70] =	vst v8;
	v8 =	vpop (erf)  }
0x2a: {  	v9 =	vld [tilespmem:s19+$0x14010];
	[tilespmem:s18+$0x0] =	vst v12;
	v6 =	vmul.f32 v8, v6;
	v7 =	vpop (erf)  }
0x2b: {  	v8 =	vld [tilespmem:s19+$0x14020];
	[tilespmem:s18+$0x10] =	vst v13;
	v7 =	vmul.f32 v7, v4;
	v5 =	vpop (erf)  }
0x2c: {  	v12 =	vld [tilespmem:s19+$0x14030];
	[tilespmem:s18+$0x20] =	vst v6;
	v3 =	vmul.f32 v5, v3;
	v5 =	vpop (erf)  }
0x2d: {  	v6 =	vld [tilespmem:s19+$0x14040];
	(erf) = vrcp.f32 v10;
	[tilespmem:s18+$0x30] =	vst v7;
	v2 =	vmul.f32 v5, v2;
	v4 =	vpop (erf)  }
0x2e: {  	v10 =	vld [tilespmem:s19+$0x14050];
	(erf) = vrcp.f32 v11;
	[tilespmem:s18+$0x40] =	vst v3;
	v1 =	vmul.f32 v4, v1  }
0x2f: {  	v3 =	vld [tilespmem:s19+$0x14060];
	(erf) = vrcp.f32 v9;
	[tilespmem:s18+$0x50] =	vst v2  }
0x30: {  	v7 =	vld [tilespmem:s19+$0xA000];
	(erf) = vrcp.f32 v8;
	[tilespmem:s18+$0x60] =	vst v1;
	s18 =	smov.u32 s19  }
0x31: {  	v5 =	vld [tilespmem:s18+$0xA010];
	(erf) = vrcp.f32 v12  }
0x32: {  	v8 =	vld [tilespmem:s18+$0xA070];
	(erf) = vrcp.f32 v6  }
.Ltmp0:
0x33: {  	v6 =	vld [tilespmem:s18+$0xA020];
	(erf) = vrcp.f32 v10;
	(pc) =	sbr.rel @p0 .LBB2_2-.Ltmp0, $4  }
0x34: {  	v4 =	vld [tilespmem:s18+$0xA030];
	(erf) = vrcp.f32 v3  }
0x35: {  	v3 =	vld [tilespmem:s18+$0xA040]  }
0x36: {  	v2 =	vld [tilespmem:s18+$0xA050];
	v9 =	vpop (erf)  }
0x37: {  	s19 =	sshra.s32 s20, $0x2;
	s20 =	sadd.s32 $0x200, s20;
	v1 =	vld [tilespmem:s18+$0xA060];
	v8 =	vmul.f32 v9, v8;
	v9 =	vpop (erf)  }
0x38: {  	v46 =	vpop (erf)  }
0x39: {  	v48 =	vpop (erf)  }
0x3a: {  	v10 =	vld [tilespmem:s19+$0x14070];
	v7 =	vmul.f32 v9, v7;
	v50 =	vpop (erf)  }
0x3b: {  	v11 =	vld [tilespmem:s19+$0x14000];
	[tilespmem:s18+$0x70] =	vst v8;
	v5 =	vmul.f32 v46, v5;
	v52 =	vpop (erf)  }
0x3c: {  	v47 =	vld [tilespmem:s19+$0x14010];
	[tilespmem:s18+$0x0] =	vst v7;
	v6 =	vmul.f32 v48, v6;
	v3 =	vmul.f32 v52, v3  }
0x3d: {  	v49 =	vld [tilespmem:s19+$0x14020];
	[tilespmem:s18+$0x10] =	vst v5;
	v4 =	vmul.f32 v50, v4  }
0x3e: {  	v51 =	vld [tilespmem:s19+$0x14030];
	[tilespmem:s18+$0x20] =	vst v6  }
0x3f: {  	v53 =	vpop (erf);
	v6 =	vld [tilespmem:s19+$0x14040];
	[tilespmem:s18+$0x30] =	vst v4;
	(erf) = vrcp.f32 v10  }
0x40: {  	v2 =	vmul.f32 v53, v2;
	v54 =	vld [tilespmem:s19+$0x14050];
	[tilespmem:s18+$0x40] =	vst v3;
	v3 =	vpop (erf);
	(erf) = vrcp.f32 v11  }
0x41: {  	v1 =	vmul.f32 v3, v1;
	(erf) = vrcp.f32 v47  }
0x42: {  	v55 =	vld [tilespmem:s19+$0x14060];
	[tilespmem:s18+$0x50] =	vst v2  }
0x43: {  	v2 =	vld [tilespmem:s19+$0xA000];
	[tilespmem:s18+$0x60] =	vst v1  }
0x44: {  	(erf) = vrcp.f32 v49;
	v1 =	vld [tilespmem:s19+$0xA070]  }
0x45: {  	(erf) = vrcp.f32 v51  }
0x46: {  	(erf) = vrcp.f32 v6;
	v3 =	vld [tilespmem:s19+$0xA010]  }
0x47: {  	(erf) = vrcp.f32 v54  }
0x48: {  	(erf) = vrcp.f32 v55;
	v59 =	vpop (erf)  }
0x49: {  	v56 =	vld [tilespmem:s19+$0xA020];
	v1 =	vmul.f32 v59, v1;
	v61 =	vpop (erf)  }
0x4a: {  	v57 =	vld [tilespmem:s19+$0xA030];
	v2 =	vmul.f32 v61, v2;
	v63 =	vpop (erf)  }
0x4b: {  	v58 =	vld [tilespmem:s19+$0xA040];
	v3 =	vmul.f32 v63, v3  }
0x4c: {  	v60 =	vld [tilespmem:s19+$0xA050]  }
0x4d: {  	v62 =	vld [tilespmem:s19+$0xA060];
	[tilespmem:s19+$0x70] =	vst v1;
	v1 =	vpop (erf)  }
0x4e: {  	[tilespmem:s19+$0x0] =	vst v2;
	v1 =	vmul.f32 v1, v56;
	v2 =	vpop (erf)  }
0x4f: {  	[tilespmem:s19+$0x10] =	vst v3;
	v2 =	vmul.f32 v2, v57;
	v3 =	vpop (erf)  }
0x50: {  	[tilespmem:s19+$0x20] =	vst v1;
	v1 =	vmul.f32 v3, v58;
	v3 =	vpop (erf)  }
0x51: {  	[tilespmem:s19+$0x30] =	vst v2;
	v2 =	vmul.f32 v3, v60;
	v3 =	vpop (erf)  }
0x52: {  	[tilespmem:s19+$0x40] =	vst v1;
	v1 =	vmul.f32 v3, v62  }
0x53: {  	[tilespmem:s19+$0x50] =	vst v2  }
0x54: {  	s18 =	simm.s32 $0x0;
	[tilespmem:s19+$0x60] =	vst v1  }
.LBB2_4:
0x55: {  	s19 =	sshll.u32 s18, $0x5  }
0x56: {  	p0 =	seq.s32 s18, $0x0;
	s19 =	sand.u32 $0x3FFFFFE0, s19  }
0x57: {  	v1 =	vld [tilespmem:s19+$0x1E000];
	s19 =	simm.s32 @!p0 $0x1  }
0x58: {  	_ =	swait.ge @!p0 [sflag:s19], $0xA000  }
0x59: {  	[sflag:s19] =	ssyncset.done @!p0 $0x0  }
0x5a: {  	s22 =	simm.s32 $0x0;
	[sflag:s19] =	ssyncadd.s32 @!p0 $0xFFFF6000  }
0x5b: {  	v2 =	vld [tilespmem:s22+$0x70]  }
0x5c: {  	v5 =	vld [tilespmem:s22+$0x0]  }
0x5d: {  	v7 =	vld [tilespmem:s22+$0x10]  }
0x5e: {  	v6 =	vld [tilespmem:s22+$0x20]  }
0x5f: {  	v4 =	vld [tilespmem:s22+$0x30]  }
0x60: {  	v3 =	vld [tilespmem:s22+$0x40];
	vm0 =	vge.f32 v2, v1  }
0x61: {  	s20 =	sshll.u32 s18, $0x1;
	v2 =	vld [tilespmem:s22+$0x50];
	vm1 =	vge.f32 v5, v1;
	v8 =	vsel vm0, $0x3F800000, v0  }
0x62: {  	s21 =	simm.s32 $0x80;
	s23 =	simm.s32 $0x400;
	s19 =	sadd.s32 s6, s20;
	v5 =	vld [tilespmem:s22+$0x60];
	vm0 =	vge.f32 v7, v1;
	v7 =	vsel vm1, $0x3F800000, v0;
	[tilespmem:s22+$0xA070] =	vst v8  }
.LBB2_5:
0x63: {  	p1 =	sne.s32 s23, $0x27E00;
	v8 =	vld [tilespmem:s21+$0x70];
	[tilespmem:s22+$0xA000] =	vst v7;
	v7 =	vsel vm0, $0x3F800000, v0;
	vm0 =	vge.f32 v6, v1  }
0x64: {  	v9 =	vld [tilespmem:s21+$0x0];
	[tilespmem:s22+$0xA010] =	vst v7;
	v6 =	vsel vm0, $0x3F800000, v0;
	vm0 =	vge.f32 v4, v1  }
0x65: {  	v10 =	vld [tilespmem:s21+$0x10];
	[tilespmem:s22+$0xA020] =	vst v6;
	v4 =	vsel vm0, $0x3F800000, v0;
	vm0 =	vge.f32 v3, v1  }
.Ltmp1:
0x66: {  	v6 =	vld [tilespmem:s21+$0x20];
	[tilespmem:s22+$0xA030] =	vst v4;
	v3 =	vsel vm0, $0x3F800000, v0;
	vm0 =	vge.f32 v2, v1;
	(pc) =	sbr.rel @p1 .LBB2_5-.Ltmp1, $4  }
0x67: {  	v4 =	vld [tilespmem:s21+$0x30];
	[tilespmem:s22+$0xA040] =	vst v3;
	v2 =	vsel vm0, $0x3F800000, v0;
	vm0 =	vge.f32 v5, v1  }
0x68: {  	v3 =	vld [tilespmem:s21+$0x40];
	vm1 =	vge.f32 v8, v1;
	[tilespmem:s22+$0xA050] =	vst v2;
	v5 =	vsel vm0, $0x3F800000, v0  }
0x69: {  	vm0 =	vge.f32 v9, v1;
	v2 =	vld [tilespmem:s21+$0x50];
	v8 =	vsel vm1, $0x3F800000, v0;
	[tilespmem:s22+$0xA060] =	vst v5;
	s22 =	smov.u32 s21  }
0x6a: {  	s21 =	sshra.s32 s23, $0x2;
	s23 =	sadd.s32 $0x200, s23;
	v7 =	vsel vm0, $0x3F800000, v0;
	vm0 =	vge.f32 v10, v1;
	v5 =	vld [tilespmem:s22+$0x60];
	[tilespmem:s22+$0xA070] =	vst v8  }
0x6b: {  	v8 =	vld [tilespmem:s21+$0x70];
	[tilespmem:s22+$0xA000] =	vst v7;
	v7 =	vsel vm0, $0x3F800000, v0;
	vm0 =	vge.f32 v6, v1  }
0x6c: {  	v9 =	vld [tilespmem:s21+$0x0];
	[tilespmem:s22+$0xA010] =	vst v7;
	v6 =	vsel vm0, $0x3F800000, v0;
	vm0 =	vge.f32 v4, v1  }
0x6d: {  	v7 =	vld [tilespmem:s21+$0x10];
	[tilespmem:s22+$0xA020] =	vst v6;
	v4 =	vsel vm0, $0x3F800000, v0;
	vm0 =	vge.f32 v3, v1  }
0x6e: {  	v6 =	vld [tilespmem:s21+$0x20];
	[tilespmem:s22+$0xA030] =	vst v4;
	v3 =	vsel vm0, $0x3F800000, v0;
	vm0 =	vge.f32 v2, v1  }
0x6f: {  	v4 =	vld [tilespmem:s21+$0x30];
	[tilespmem:s22+$0xA040] =	vst v3;
	v2 =	vsel vm0, $0x3F800000, v0;
	vm0 =	vge.f32 v5, v1  }
0x70: {  	v3 =	vld [tilespmem:s21+$0x40];
	[tilespmem:s22+$0xA050] =	vst v2;
	v2 =	vsel vm0, $0x3F800000, v0;
	vm0 =	vge.f32 v8, v1  }
0x71: {  	v5 =	vld [tilespmem:s21+$0x50];
	[tilespmem:s22+$0xA060] =	vst v2;
	vm1 =	vge.f32 v9, v1;
	v2 =	vsel vm0, $0x3F800000, v0  }
0x72: {  	v8 =	vld [tilespmem:s21+$0x60];
	vm0 =	vge.f32 v7, v1;
	v7 =	vsel vm1, $0x3F800000, v0;
	[tilespmem:s21+$0xA070] =	vst v2  }
0x73: {  	[tilespmem:s21+$0xA000] =	vst v7;
	v2 =	vsel vm0, $0x3F800000, v0;
	vm0 =	vge.f32 v6, v1  }
0x74: {  	s19 =	sshrl.u32 s19, $0x3;
	[tilespmem:s21+$0xA010] =	vst v2;
	v2 =	vsel vm0, $0x3F800000, v0;
	vm0 =	vge.f32 v4, v1  }
0x75: {  	s29 =	sshll.u32 s18, $0x8;
	s19 =	smul.u32 $0x50000, s19;
	[tilespmem:s21+$0xA020] =	vst v2;
	v2 =	vsel vm0, $0x3F800000, v0;
	vm0 =	vge.f32 v3, v1  }
0x76: {  	s22 =	sand.u32 $0x300, s29;
	[tilespmem:s21+$0xA030] =	vst v2;
	v2 =	vsel vm0, $0x3F800000, v0;
	vm0 =	vge.f32 v5, v1  }
0x77: {  	s20 =	sor.u32 $0x1, s20;
	s22 =	sor.u32 s22, s19;
	[tilespmem:s21+$0xA040] =	vst v2;
	v2 =	vsel vm0, $0x3F800000, v0;
	vm0 =	vge.f32 v8, v1  }
0x78: {  	s31 =	sshll.u32 s20, $0x4;
	s22 =	sshrl.u32 s22, $0x3;
	[tilespmem:s21+$0xA050] =	vst v2;
	v1 =	vsel vm0, $0x3F800000, v0  }
0x79: {  	s30 =	sadd.s32 s1, s22;
	[tilespmem:s21+$0xA060] =	vst v1;
	s21 =	sand.u32 $0x3FFFFFF0, s31  }
0x7a: {  	[hbm4b:s30+s13] =	stream.strided.scatter [tilespmem:s9], [sflag:$0x1], $0xA000, s14, s13, $0x38;
	[tilespmem:$0x1E100] =	vst v63  }
0x7b: {  	v1 =	vld [tilespmem:s21+$0x1E000];
	s21 =	simm.s32 @!p0 $0x2  }
0x7c: {  	_ =	swait.ge @!p0 [sflag:s21], $0xA000  }
0x7d: {  	[sflag:s21] =	ssyncset.done @!p0 $0x0  }
0x7e: {  	s22 =	simm.s32 $0x0;
	[sflag:s21] =	ssyncadd.s32 @!p0 $0xFFFF6000  }
0x7f: {  	v2 =	vld [tilespmem:s22+$0x70]  }
0x80: {  	v4 =	vld [tilespmem:s22+$0x0]  }
0x81: {  	v7 =	vld [tilespmem:s22+$0x10]  }
0x82: {  	v6 =	vld [tilespmem:s22+$0x20]  }
0x83: {  	v5 =	vld [tilespmem:s22+$0x30]  }
0x84: {  	v3 =	vld [tilespmem:s22+$0x40];
	vm0 =	vge.f32 v2, v1  }
0x85: {  	v2 =	vld [tilespmem:s22+$0x50];
	vm1 =	vge.f32 v4, v1;
	v8 =	vsel vm0, $0x3F800000, v0  }
0x86: {  	s23 =	simm.s32 $0x400;
	s21 =	simm.s32 $0x80;
	v4 =	vld [tilespmem:s22+$0x60];
	vm0 =	vge.f32 v7, v1;
	v7 =	vsel vm1, $0x3F800000, v0;
	[tilespmem:s22+$0x14070] =	vst v8  }
.LBB2_7:
0x87: {  	p0 =	sne.s32 s23, $0x27E00;
	v8 =	vld [tilespmem:s21+$0x70];
	[tilespmem:s22+$0x14000] =	vst v7;
	v7 =	vsel vm0, $0x3F800000, v0;
	vm0 =	vge.f32 v6, v1  }
0x88: {  	v9 =	vld [tilespmem:s21+$0x0];
	[tilespmem:s22+$0x14010] =	vst v7;
	v6 =	vsel vm0, $0x3F800000, v0;
	vm0 =	vge.f32 v5, v1  }
0x89: {  	v10 =	vld [tilespmem:s21+$0x10];
	[tilespmem:s22+$0x14020] =	vst v6;
	v5 =	vsel vm0, $0x3F800000, v0;
	vm0 =	vge.f32 v3, v1  }
.Ltmp2:
0x8a: {  	v6 =	vld [tilespmem:s21+$0x20];
	[tilespmem:s22+$0x14030] =	vst v5;
	v3 =	vsel vm0, $0x3F800000, v0;
	vm0 =	vge.f32 v2, v1;
	(pc) =	sbr.rel @p0 .LBB2_7-.Ltmp2, $4  }
0x8b: {  	v5 =	vld [tilespmem:s21+$0x30];
	[tilespmem:s22+$0x14040] =	vst v3;
	v2 =	vsel vm0, $0x3F800000, v0;
	vm0 =	vge.f32 v4, v1  }
0x8c: {  	v3 =	vld [tilespmem:s21+$0x40];
	vm1 =	vge.f32 v8, v1;
	[tilespmem:s22+$0x14050] =	vst v2;
	v4 =	vsel vm0, $0x3F800000, v0  }
0x8d: {  	vm0 =	vge.f32 v9, v1;
	v2 =	vld [tilespmem:s21+$0x50];
	v8 =	vsel vm1, $0x3F800000, v0;
	[tilespmem:s22+$0x14060] =	vst v4;
	s22 =	smov.u32 s21  }
0x8e: {  	s21 =	sshra.s32 s23, $0x2;
	s23 =	sadd.s32 $0x200, s23;
	v7 =	vsel vm0, $0x3F800000, v0;
	vm0 =	vge.f32 v10, v1;
	v4 =	vld [tilespmem:s22+$0x60];
	[tilespmem:s22+$0x14070] =	vst v8  }
0x8f: {  	v8 =	vld [tilespmem:s21+$0x70];
	[tilespmem:s22+$0x14000] =	vst v7;
	v60 =	vsel vm0, $0x3F800000, v0;
	vm4 =	vge.f32 v6, v1  }
0x90: {  	v9 =	vld [tilespmem:s21+$0x0];
	[tilespmem:s22+$0x14010] =	vst v60;
	v6 =	vsel vm4, $0x3F800000, v0;
	vm5 =	vge.f32 v5, v1  }
0x91: {  	v7 =	vld [tilespmem:s21+$0x10];
	[tilespmem:s22+$0x14020] =	vst v6;
	v5 =	vsel vm5, $0x3F800000, v0;
	vm6 =	vge.f32 v3, v1  }
0x92: {  	v6 =	vld [tilespmem:s21+$0x20];
	[tilespmem:s22+$0x14030] =	vst v5;
	v3 =	vsel vm6, $0x3F800000, v0;
	vm7 =	vge.f32 v2, v1  }
0x93: {  	v5 =	vld [tilespmem:s21+$0x30];
	[tilespmem:s22+$0x14040] =	vst v3;
	v2 =	vsel vm7, $0x3F800000, v0;
	vm8 =	vge.f32 v4, v1  }
0x94: {  	v3 =	vld [tilespmem:s21+$0x40];
	[tilespmem:s22+$0x14050] =	vst v2;
	v2 =	vsel vm8, $0x3F800000, v0;
	vm9 =	vge.f32 v8, v1  }
0x95: {  	v61 =	vld [tilespmem:s21+$0x50];
	[tilespmem:s22+$0x14060] =	vst v2;
	vm1 =	vge.f32 v9, v1;
	v2 =	vsel vm9, $0x3F800000, v0  }
0x96: {  	v62 =	vld [tilespmem:s21+$0x60];
	vm10 =	vge.f32 v7, v1;
	v63 =	vsel vm1, $0x3F800000, v0;
	[tilespmem:s21+$0x14070] =	vst v2  }
0x97: {  	[tilespmem:s21+$0x14000] =	vst v63;
	v2 =	vsel vm10, $0x3F800000, v0;
	vm11 =	vge.f32 v6, v1  }
0x98: {  	s18 =	sadd.s32 $0x1, s18;
	[tilespmem:s21+$0x14010] =	vst v2;
	v2 =	vsel vm11, $0x3F800000, v0;
	vm12 =	vge.f32 v5, v1  }
0x99: {  	s20 =	sshll.u32 s20, $0x7;
	p0 =	sne.s32 s18, $0x8;
	[tilespmem:s21+$0x14020] =	vst v2;
	v2 =	vsel vm12, $0x3F800000, v0;
	vm13 =	vge.f32 v3, v1  }
.Ltmp3:
0x9a: {  	s20 =	sand.u32 $0x380, s20;
	[tilespmem:s21+$0x14030] =	vst v2;
	v2 =	vsel vm13, $0x3F800000, v0;
	vm14 =	vge.f32 v61, v1;
	(pc) =	sbr.rel @p0 .LBB2_4-.Ltmp3, $4  }
0x9b: {  	s19 =	sor.u32 s20, s19;
	[tilespmem:s21+$0x14040] =	vst v2;
	v2 =	vsel vm14, $0x3F800000, v0;
	vm15 =	vge.f32 v62, v1  }
0x9c: {  	s19 =	sshrl.u32 s19, $0x3;
	[tilespmem:s21+$0x14050] =	vst v2;
	v1 =	vsel vm15, $0x3F800000, v0  }
0x9d: {  	s19 =	sadd.s32 s1, s19;
	[tilespmem:s21+$0x14060] =	vst v1  }
0x9e: {  	[hbm4b:s19+s13] =	stream.strided.scatter [tilespmem:s11], [sflag:$0x2], $0xA000, s14, s13, $0x38;
	[tilespmem:$0x1E100] =	vst v63  }
0x9f: {  	s17 =	sadd.s32 $0x1, s17  }
0xa0: {  	_ =	swait.ge [sflag:s15], $0xA000;
	p0 =	sne.s32 s17, s8  }
.Ltmp4:
0xa1: {  	[sflag:s15] =	ssyncset.done $0x0;
	(pc) =	sbr.rel @p0 .LBB2_1-.Ltmp4, $4  }
0xa2: {  	[sflag:s15] =	ssyncadd.s32 $0xFFFF6000  }
0xa3: {  	_ =	swait.ge [sflag:s16], $0xA000  }
0xa4: {  	[sflag:s16] =	ssyncset.done $0x0  }
0xa5: {  	[sflag:s16] =	ssyncadd.s32 $0xFFFF6000  }
0xa6: {  	_ =	sfence.sel $0x180000  }
0xa7: {  	[bflag:$0x0] =	sbarrier.arrive $0xFFFF  }
0xa8: {  	p0 =	sne.s32 s2, $0x0;
	_ =	strace $0x90000047  }
0xa9: {  	s0 =	sadd.s32 @!p0 $0x100000, s0;
	[bflag:$0x2] =	sbarrier.arrive $0xFFFF  }
0xaa: {  	[sflag:s0] =	ssyncadd.tile.s32 @!p0 $0x1;
	_ =	shalt  }
.Lfunc_end2:
_tile_overlayer_lowered:
.L_overlay_start_2:
0xab: {  	(tag) =	ssettag $0x2  }
0xac: {  	s0 =	rddreg [dreg:$0x0];
	s2 =	stileid.u32  }
0xad: {  	s1 =	rddreg [dreg:$0x1];
	p0 =	sne.s32 s2, $0x0  }
0xae: {  	s3 =	rddreg [dreg:$0x2];
	[bflag:$0x3] =	sbarrier.arrive $0xFFFF;
	s2 =	simm.s32 @!p0 $0x1C03  }
0xaf: {  	[timem:s3], [sflag:s2] =	dma.local @!p0 [hbm:s0], s1  }
0xb0: {  	s0 =	simm.s32 @!p0 $0x3  }
0xb1: {  	_ =	swait.ge @!p0 [sflag:s0], s1  }
0xb2: {  	s1 =	ssub.s32 @!p0 $0x0, s1;
	[sflag:s0] =	ssyncset.done @!p0 $0x0  }
0xb3: {  	[sflag:s0] =	ssyncadd.s32 @!p0 s1  }
0xb4: {  	[bflag:$0x3] =	sbarrier.arrive $0xFFFF  }
0xb5: {  	_ =	shalt  }

</sc_bundles>
